<compile_context>
chip_gen: v7x
topology: tpu7x:2x2x1
jax: 0.10.2.dev20260603
libtpu: 0.0.44.dev20260713+nightly
codegen_flags: <defaults>
</compile_context>

<pallas_src>
import functools

import jax
import jax.numpy as jnp
from jax import lax
from jax.experimental import pallas as pl
from jax.experimental.pallas import tpu as pltpu
from jax.experimental.pallas import tpu_sc as plsc

_NUM_POS = 8192
_EMBED_DIM = 768
_B = 4
_S = 8192
_TOTAL = _B * _S

_NC = 2
_NS = 16
_NW = _NC * _NS
_ROWS_PER_W = _TOTAL // _NW
_CHUNK = 32
_N_CHUNKS = _ROWS_PER_W // _CHUNK
_NBUF = 5

_mesh = plsc.VectorSubcoreMesh(core_axis_name="c", subcore_axis_name="s")


@functools.partial(
    pl.kernel,
    mesh=_mesh,
    out_type=jax.ShapeDtypeStruct((_TOTAL, _EMBED_DIM), jnp.float32),
    scratch_types=[
        pltpu.VMEM((_ROWS_PER_W,), jnp.int32),
        pltpu.VMEM((_NBUF, _CHUNK, _EMBED_DIM), jnp.float32),
        pltpu.SemaphoreType.DMA,
        pltpu.SemaphoreType.DMA,
    ],
)
def _gather_rows(idx_hbm, table_hbm, out_hbm, idx_v, rows_v, sg, sw):
    sid = lax.axis_index("s")
    wid = sid * _NC + lax.axis_index("c")
    base = wid * _ROWS_PER_W

    pltpu.sync_copy(
        idx_hbm.at[wid // 8, pl.ds((wid % 8) * _ROWS_PER_W, _ROWS_PER_W)],
        idx_v)

    def _gather(i, b):
        pltpu.async_copy(
            table_hbm.at[idx_v.at[pl.ds(i * _CHUNK, _CHUNK)]],
            rows_v.at[b], sg)

    def _wait_gather():
        pltpu.make_async_copy(
            table_hbm.at[idx_v.at[pl.ds(0, _CHUNK)]], rows_v.at[0],
            sg).wait()

    def _write_out(i, b):
        pltpu.async_copy(rows_v.at[b],
                         out_hbm.at[pl.ds(base + i * _CHUNK, _CHUNK)], sw)

    def _wait_write():
        pltpu.make_async_copy(
            rows_v.at[0], out_hbm.at[pl.ds(base, _CHUNK)], sw).wait()

    for b in range(_NBUF):
        _gather(b, b)

    def _body(i, carry):
        b = lax.rem(i, _NBUF)
        _wait_gather()
        _write_out(i, b)
        _wait_write()
        _gather(i + _NBUF, b)
        return carry

    lax.fori_loop(0, _N_CHUNKS - _NBUF, _body, 0)

    def _tail(i, carry):
        _wait_gather()
        _write_out(i, lax.rem(i, _NBUF))
        return carry

    lax.fori_loop(_N_CHUNKS - _NBUF, _N_CHUNKS, _tail, 0)

    def _drain(i, carry):
        _wait_write()
        return carry

    lax.fori_loop(0, _NBUF, _drain, 0)


def _copy_body(w_ref, o_ref):
    o_ref[...] = w_ref[...]


def _weights_passthrough(w):
    return pl.pallas_call(
        _copy_body,
        grid=(4,),
        in_specs=[pl.BlockSpec((_NUM_POS // 4, _EMBED_DIM),
                               lambda i: (i, 0))],
        out_specs=pl.BlockSpec((_NUM_POS // 4, _EMBED_DIM),
                               lambda i: (i, 0)),
        out_shape=jax.ShapeDtypeStruct((_NUM_POS, _EMBED_DIM), jnp.float32),
    )(w)


def kernel(inputs, pos_embed_weights):
    idx = inputs.astype(jnp.int32)
    out = _gather_rows(idx, pos_embed_weights)
    w_out = _weights_passthrough(pos_embed_weights)
    return out.reshape(_B, _S, _EMBED_DIM), w_out

# --- scband reference (transcript-rebuilt; emitter-appended) ---
"""Pipeline reference for scband-pos-embedding-52037823758761 (READ-ONLY COPY).

The authoritative reference and input builder live on the scoring server;
editing this copy changes nothing except your own understanding.
"""

import jax, jax.numpy as jnp
import numpy as np

NUM_POS = 8192
EMBED_DIM = 768
B = 4
S = 8192


def setup_inputs(seed: int = 0) -> dict:
    key = jax.random.key(seed)
    k1, k2 = jax.random.split(key)
    inputs = jax.random.randint(k1, (B, S), 0, NUM_POS, dtype=jnp.int32)
    # truncated normal init with stddev=0.02, matching tf.initializers.truncated_normal
    pos_embed_weights = jax.random.truncated_normal(
        k2, -2.0, 2.0, (NUM_POS, EMBED_DIM), dtype=jnp.float32) * 0.02
    return {"inputs": inputs, "pos_embed_weights": pos_embed_weights}


def reference(inputs, pos_embed_weights):
    # cast to int32 like the original layer
    idx = inputs.astype(jnp.int32)
    # K.gather(self.pos_embed_weights, inputs)
    pos_embed = jnp.take(pos_embed_weights, idx, axis=0)
    # layer returns [pos_embed, pos_embed_weights]
    return (pos_embed, pos_embed_weights)

if __name__ == "__main__":
    import jax
    _d = setup_inputs()
    print(jax.jit(kernel)(*tuple(_d.values())))

</pallas_src>

<mosaic_0001>
#map = affine_map<(d0, d1) -> (0, 0)>
module attributes {stable_mosaic.version = 14 : i64} {
  func.func @_gather_rows(%arg0: i32, %arg1: i32, %arg2: memref<4x8192xi32, #tpu.memory_space<hbm>>, %arg3: memref<8192x768xf32, #tpu.memory_space<hbm>>, %arg4: memref<32768x768xf32, #tpu.memory_space<hbm>>, %arg5: memref<1024xi32, #tpu.memory_space<vmem>>, %arg6: memref<5x32x768xf32, #tpu.memory_space<vmem>>, %arg7: memref<!tpu.dma_semaphore, #tpu.memory_space<semaphore_mem>>, %arg8: memref<!tpu.dma_semaphore, #tpu.memory_space<semaphore_mem>>) attributes {dimension_semantics = [#tpu.dimension_semantics<core_parallel>, #tpu.dimension_semantics<subcore_parallel>], iteration_bounds = array<i64: 2, 16>, scalar_prefetch = 0 : i64, scratch_operands = 4 : i64, tpu.core_type = #tpu.core_type<sc_vector_subcore>, window_params = [{transform_indices = #map}, {transform_indices = #map}, {transform_indices = #map}]} {
    %mul3A = arith.constant 2 : i32
    %mul3A_0 = arith.muli %arg1, %mul3A : i32
    %add3A = arith.addi %mul3A_0, %arg0 : i32
    %mul3A_1 = arith.constant 1024 : i32
    %mul3A_2 = arith.muli %add3A, %mul3A_1 : i32
    %jit3A = arith.constant 8 : i32
    %div3A = arith.divsi %add3A, %jit3A : i32
    %sign3A = arith.constant 0 : i32
    %sign3A_3 = arith.cmpi sgt, %add3A, %sign3A : i32
    %sign3A_4 = arith.extui %sign3A_3 : i1 to i32
    %sign3A_5 = arith.constant 0 : i32
    %sign3A_6 = arith.cmpi slt, %add3A, %sign3A_5 : i32
    %sign3A_7 = arith.extui %sign3A_6 : i1 to i32
    %sign3A_8 = arith.subi %sign3A_4, %sign3A_7 : i32
    %sign3A_9 = arith.constant 0 : i32
    %sign3A_10 = arith.cmpi sgt, %jit3A, %sign3A_9 : i32
    %sign3A_11 = arith.extui %sign3A_10 : i1 to i32
    %sign3A_12 = arith.constant 0 : i32
    %sign3A_13 = arith.cmpi slt, %jit3A, %sign3A_12 : i32
    %sign3A_14 = arith.extui %sign3A_13 : i1 to i32
    %sign3A_15 = arith.subi %sign3A_11, %sign3A_14 : i32
    %ne3A = arith.cmpi ne, %sign3A_8, %sign3A_15 : i32
    %rem3A = arith.remsi %add3A, %jit3A : i32
    %ne3A_16 = arith.constant 0 : i32
    %ne3A_17 = arith.cmpi ne, %rem3A, %ne3A_16 : i32
    %and3A = arith.andi %ne3A, %ne3A_17 : i1
    %sub3A = arith.constant 1 : i32
    %sub3A_18 = arith.subi %div3A, %sub3A : i32
    %select_n3A = arith.select %and3A, %sub3A_18, %div3A : i32
    %jit3A_19 = arith.constant 8 : i32
    %eq3A = arith.constant 0 : i32
    %eq3A_20 = arith.cmpi eq, %jit3A_19, %eq3A : i32
    %jit3A_21 = arith.constant 1 : i32
    %select_n3A_22 = arith.select %eq3A_20, %jit3A_21, %jit3A_19 : i32
    %rem3A_23 = arith.remsi %add3A, %select_n3A_22 : i32
    %ne3A_24 = arith.constant 0 : i32
    %ne3A_25 = arith.cmpi ne, %rem3A_23, %ne3A_24 : i32
    %lt3A = arith.constant 0 : i32
    %lt3A_26 = arith.cmpi slt, %rem3A_23, %lt3A : i32
    %lt3A_27 = arith.constant 0 : i32
    %lt3A_28 = arith.cmpi slt, %select_n3A_22, %lt3A_27 : i32
    %ne3A_29 = arith.xori %lt3A_26, %lt3A_28 : i1
    %and3A_30 = arith.andi %ne3A_29, %ne3A_25 : i1
    %add3A_31 = arith.addi %rem3A_23, %select_n3A_22 : i32
    %select_n3A_32 = arith.select %and3A_30, %add3A_31, %rem3A_23 : i32
    %mul3A_33 = arith.constant 1024 : i32
    %mul3A_34 = arith.muli %select_n3A_32, %mul3A_33 : i32
    "tpu.region"() ({
      %run_scoped3A = tpu.sem_alloc : memref<!tpu.dma_semaphore, #tpu.memory_space<semaphore_mem>>
      %dma_start3A_101 = tpu.memref_slice %arg2[%select_n3A, %mul3A_34] : memref<4x8192xi32, #tpu.memory_space<hbm>> -> memref<1x1024xi32, #tpu.memory_space<hbm>>
      %dma_start3A_102 = tpu.memref_squeeze %dma_start3A_101 : memref<1x1024xi32, #tpu.memory_space<hbm>> -> memref<1024xi32, #tpu.memory_space<hbm>>
      %dma_start3A_103 = tpu.memref_slice %arg2[%select_n3A, %mul3A_34] : memref<4x8192xi32, #tpu.memory_space<hbm>> -> memref<1x1024xi32, #tpu.memory_space<hbm>>
      %dma_start3A_104 = tpu.memref_squeeze %dma_start3A_103 : memref<1x1024xi32, #tpu.memory_space<hbm>> -> memref<1024xi32, #tpu.memory_space<hbm>>
      tpu.enqueue_dma source(%dma_start3A_104 : memref<1024xi32, #tpu.memory_space<hbm>>) target(%arg5 : memref<1024xi32, #tpu.memory_space<vmem>>) target_semaphore(%run_scoped3A : memref<!tpu.dma_semaphore, #tpu.memory_space<semaphore_mem>>)
      %dma_wait3A = tpu.memref_slice %arg2[%select_n3A, %mul3A_34] : memref<4x8192xi32, #tpu.memory_space<hbm>> -> memref<1x1024xi32, #tpu.memory_space<hbm>>
      %dma_wait3A_105 = tpu.memref_squeeze %dma_wait3A : memref<1x1024xi32, #tpu.memory_space<hbm>> -> memref<1024xi32, #tpu.memory_space<hbm>>
      %dma_wait3A_106 = tpu.memref_slice %arg2[%select_n3A, %mul3A_34] : memref<4x8192xi32, #tpu.memory_space<hbm>> -> memref<1x1024xi32, #tpu.memory_space<hbm>>
      %dma_wait3A_107 = tpu.memref_squeeze %dma_wait3A_106 : memref<1x1024xi32, #tpu.memory_space<hbm>> -> memref<1024xi32, #tpu.memory_space<hbm>>
      tpu.wait_dma2 semaphore(%run_scoped3A : memref<!tpu.dma_semaphore, #tpu.memory_space<semaphore_mem>>) src(%dma_wait3A_107 : memref<1024xi32, #tpu.memory_space<hbm>>) dst(%arg5 : memref<1024xi32, #tpu.memory_space<vmem>>)
      tpu.yield
    }) : () -> ()
    %dma_start3A = arith.constant 0 : i32
    %dma_start3A_35 = arith.constant 0 : i32
    %dma_start3A_36 = arith.constant 0 : i32
    %dma_start3A_37 = tpu.memref_slice %arg6[%dma_start3A, %dma_start3A_35, %dma_start3A_36] : memref<5x32x768xf32, #tpu.memory_space<vmem>> -> memref<1x32x768xf32, #tpu.memory_space<vmem>>
    %dma_start3A_38 = tpu.memref_squeeze %dma_start3A_37 : memref<1x32x768xf32, #tpu.memory_space<vmem>> -> memref<32x768xf32, #tpu.memory_space<vmem>>
    %dma_start3A_39 = arith.constant 0 : i32
    %dma_start3A_40 = tpu.memref_slice %arg5[%dma_start3A_39] : memref<1024xi32, #tpu.memory_space<vmem>> -> memref<32xi32, #tpu.memory_space<vmem>>
    %dma_start3A_41 = arith.constant 0 : i32
    %dma_start3A_42 = arith.constant 0 : i32
    %dma_start3A_43 = tpu.memref_slice %arg3[%dma_start3A_41, %dma_start3A_42] : memref<8192x768xf32, #tpu.memory_space<hbm>> -> memref<8192x768xf32, #tpu.memory_space<hbm>>
    tpu.enqueue_indirect_dma source(%dma_start3A_43 : memref<8192x768xf32, #tpu.memory_space<hbm>>) target(%dma_start3A_38 : memref<32x768xf32, #tpu.memory_space<vmem>>) offsets(%dma_start3A_40 : memref<32xi32, #tpu.memory_space<vmem>>) semaphore(%arg7 : memref<!tpu.dma_semaphore, #tpu.memory_space<semaphore_mem>>)
    %dma_start3A_44 = arith.constant 1 : i32
    %dma_start3A_45 = arith.constant 0 : i32
    %dma_start3A_46 = arith.constant 0 : i32
    %dma_start3A_47 = tpu.memref_slice %arg6[%dma_start3A_44, %dma_start3A_45, %dma_start3A_46] : memref<5x32x768xf32, #tpu.memory_space<vmem>> -> memref<1x32x768xf32, #tpu.memory_space<vmem>>
    %dma_start3A_48 = tpu.memref_squeeze %dma_start3A_47 : memref<1x32x768xf32, #tpu.memory_space<vmem>> -> memref<32x768xf32, #tpu.memory_space<vmem>>
    %dma_start3A_49 = arith.constant 32 : i32
    %dma_start3A_50 = tpu.memref_slice %arg5[%dma_start3A_49] : memref<1024xi32, #tpu.memory_space<vmem>> -> memref<32xi32, #tpu.memory_space<vmem>>
    %dma_start3A_51 = arith.constant 0 : i32
    %dma_start3A_52 = arith.constant 0 : i32
    %dma_start3A_53 = tpu.memref_slice %arg3[%dma_start3A_51, %dma_start3A_52] : memref<8192x768xf32, #tpu.memory_space<hbm>> -> memref<8192x768xf32, #tpu.memory_space<hbm>>
    tpu.enqueue_indirect_dma source(%dma_start3A_53 : memref<8192x768xf32, #tpu.memory_space<hbm>>) target(%dma_start3A_48 : memref<32x768xf32, #tpu.memory_space<vmem>>) offsets(%dma_start3A_50 : memref<32xi32, #tpu.memory_space<vmem>>) semaphore(%arg7 : memref<!tpu.dma_semaphore, #tpu.memory_space<semaphore_mem>>)
    %dma_start3A_54 = arith.constant 2 : i32
    %dma_start3A_55 = arith.constant 0 : i32
    %dma_start3A_56 = arith.constant 0 : i32
    %dma_start3A_57 = tpu.memref_slice %arg6[%dma_start3A_54, %dma_start3A_55, %dma_start3A_56] : memref<5x32x768xf32, #tpu.memory_space<vmem>> -> memref<1x32x768xf32, #tpu.memory_space<vmem>>
    %dma_start3A_58 = tpu.memref_squeeze %dma_start3A_57 : memref<1x32x768xf32, #tpu.memory_space<vmem>> -> memref<32x768xf32, #tpu.memory_space<vmem>>
    %dma_start3A_59 = arith.constant 64 : i32
    %dma_start3A_60 = tpu.memref_slice %arg5[%dma_start3A_59] : memref<1024xi32, #tpu.memory_space<vmem>> -> memref<32xi32, #tpu.memory_space<vmem>>
    %dma_start3A_61 = arith.constant 0 : i32
    %dma_start3A_62 = arith.constant 0 : i32
    %dma_start3A_63 = tpu.memref_slice %arg3[%dma_start3A_61, %dma_start3A_62] : memref<8192x768xf32, #tpu.memory_space<hbm>> -> memref<8192x768xf32, #tpu.memory_space<hbm>>
    tpu.enqueue_indirect_dma source(%dma_start3A_63 : memref<8192x768xf32, #tpu.memory_space<hbm>>) target(%dma_start3A_58 : memref<32x768xf32, #tpu.memory_space<vmem>>) offsets(%dma_start3A_60 : memref<32xi32, #tpu.memory_space<vmem>>) semaphore(%arg7 : memref<!tpu.dma_semaphore, #tpu.memory_space<semaphore_mem>>)
    %dma_start3A_64 = arith.constant 3 : i32
    %dma_start3A_65 = arith.constant 0 : i32
    %dma_start3A_66 = arith.constant 0 : i32
    %dma_start3A_67 = tpu.memref_slice %arg6[%dma_start3A_64, %dma_start3A_65, %dma_start3A_66] : memref<5x32x768xf32, #tpu.memory_space<vmem>> -> memref<1x32x768xf32, #tpu.memory_space<vmem>>
    %dma_start3A_68 = tpu.memref_squeeze %dma_start3A_67 : memref<1x32x768xf32, #tpu.memory_space<vmem>> -> memref<32x768xf32, #tpu.memory_space<vmem>>
    %dma_start3A_69 = arith.constant 96 : i32
    %dma_start3A_70 = tpu.memref_slice %arg5[%dma_start3A_69] : memref<1024xi32, #tpu.memory_space<vmem>> -> memref<32xi32, #tpu.memory_space<vmem>>
    %dma_start3A_71 = arith.constant 0 : i32
    %dma_start3A_72 = arith.constant 0 : i32
    %dma_start3A_73 = tpu.memref_slice %arg3[%dma_start3A_71, %dma_start3A_72] : memref<8192x768xf32, #tpu.memory_space<hbm>> -> memref<8192x768xf32, #tpu.memory_space<hbm>>
    tpu.enqueue_indirect_dma source(%dma_start3A_73 : memref<8192x768xf32, #tpu.memory_space<hbm>>) target(%dma_start3A_68 : memref<32x768xf32, #tpu.memory_space<vmem>>) offsets(%dma_start3A_70 : memref<32xi32, #tpu.memory_space<vmem>>) semaphore(%arg7 : memref<!tpu.dma_semaphore, #tpu.memory_space<semaphore_mem>>)
    %dma_start3A_74 = arith.constant 4 : i32
    %dma_start3A_75 = arith.constant 0 : i32
    %dma_start3A_76 = arith.constant 0 : i32
    %dma_start3A_77 = tpu.memref_slice %arg6[%dma_start3A_74, %dma_start3A_75, %dma_start3A_76] : memref<5x32x768xf32, #tpu.memory_space<vmem>> -> memref<1x32x768xf32, #tpu.memory_space<vmem>>
    %dma_start3A_78 = tpu.memref_squeeze %dma_start3A_77 : memref<1x32x768xf32, #tpu.memory_space<vmem>> -> memref<32x768xf32, #tpu.memory_space<vmem>>
    %dma_start3A_79 = arith.constant 128 : i32
    %dma_start3A_80 = tpu.memref_slice %arg5[%dma_start3A_79] : memref<1024xi32, #tpu.memory_space<vmem>> -> memref<32xi32, #tpu.memory_space<vmem>>
    %dma_start3A_81 = arith.constant 0 : i32
    %dma_start3A_82 = arith.constant 0 : i32
    %dma_start3A_83 = tpu.memref_slice %arg3[%dma_start3A_81, %dma_start3A_82] : memref<8192x768xf32, #tpu.memory_space<hbm>> -> memref<8192x768xf32, #tpu.memory_space<hbm>>
    tpu.enqueue_indirect_dma source(%dma_start3A_83 : memref<8192x768xf32, #tpu.memory_space<hbm>>) target(%dma_start3A_78 : memref<32x768xf32, #tpu.memory_space<vmem>>) offsets(%dma_start3A_80 : memref<32xi32, #tpu.memory_space<vmem>>) semaphore(%arg7 : memref<!tpu.dma_semaphore, #tpu.memory_space<semaphore_mem>>)
    %scan3A = arith.constant 0 : i32
    %scan3A_84 = arith.constant 0 : i32
    %scan3A_85 = arith.constant 27 : i32
    %scan3A_86 = arith.addi %scan3A_84, %scan3A_85 : i32
    %scan3A_87 = arith.constant 1 : i32
    scf.for %scan3A_101 = %scan3A_84 to %scan3A_86 step %scan3A_87  : i32 {
      %rem3A_102 = arith.constant 5 : i32
      %rem3A_103 = arith.remsi %scan3A_101, %rem3A_102 : i32
      %dma_wait3A = arith.constant 0 : i32
      %dma_wait3A_104 = arith.constant 0 : i32
      %dma_wait3A_105 = arith.constant 0 : i32
      %dma_wait3A_106 = tpu.memref_slice %arg6[%dma_wait3A, %dma_wait3A_104, %dma_wait3A_105] : memref<5x32x768xf32, #tpu.memory_space<vmem>> -> memref<1x32x768xf32, #tpu.memory_space<vmem>>
      %dma_wait3A_107 = tpu.memref_squeeze %dma_wait3A_106 : memref<1x32x768xf32, #tpu.memory_space<vmem>> -> memref<32x768xf32, #tpu.memory_space<vmem>>
      %dma_wait3A_108 = arith.constant 0 : i32
      %dma_wait3A_109 = tpu.memref_slice %arg5[%dma_wait3A_108] : memref<1024xi32, #tpu.memory_space<vmem>> -> memref<32xi32, #tpu.memory_space<vmem>>
      %dma_wait3A_110 = arith.constant 0 : i32
      %dma_wait3A_111 = arith.constant 0 : i32
      %dma_wait3A_112 = tpu.memref_slice %arg3[%dma_wait3A_110, %dma_wait3A_111] : memref<8192x768xf32, #tpu.memory_space<hbm>> -> memref<8192x768xf32, #tpu.memory_space<hbm>>
      tpu.wait_indirect_dma semaphore(%arg7 : memref<!tpu.dma_semaphore, #tpu.memory_space<semaphore_mem>>) src(%dma_wait3A_112 : memref<8192x768xf32, #tpu.memory_space<hbm>>) dst(%dma_wait3A_107 : memref<32x768xf32, #tpu.memory_space<vmem>>)
      %mul3A_113 = arith.constant 32 : i32
      %mul3A_114 = arith.muli %scan3A_101, %mul3A_113 : i32
      %add3A_115 = arith.addi %mul3A_2, %mul3A_114 : i32
      %dma_start3A_116 = arith.constant 0 : i32
      %dma_start3A_117 = arith.constant 0 : i32
      %dma_start3A_118 = tpu.memref_slice %arg6[%rem3A_103, %dma_start3A_116, %dma_start3A_117] : memref<5x32x768xf32, #tpu.memory_space<vmem>> -> memref<1x32x768xf32, #tpu.memory_space<vmem>>
      %dma_start3A_119 = tpu.memref_squeeze %dma_start3A_118 : memref<1x32x768xf32, #tpu.memory_space<vmem>> -> memref<32x768xf32, #tpu.memory_space<vmem>>
      %dma_start3A_120 = arith.constant 0 : i32
      %dma_start3A_121 = tpu.memref_slice %arg4[%add3A_115, %dma_start3A_120] : memref<32768x768xf32, #tpu.memory_space<hbm>> -> memref<32x768xf32, #tpu.memory_space<hbm>>
      %dma_start3A_122 = arith.constant 0 : i32
      %dma_start3A_123 = tpu.memref_slice %arg4[%add3A_115, %dma_start3A_122] : memref<32768x768xf32, #tpu.memory_space<hbm>> -> memref<32x768xf32, #tpu.memory_space<hbm>>
      %dma_start3A_124 = arith.constant 0 : i32
      %dma_start3A_125 = arith.constant 0 : i32
      %dma_start3A_126 = tpu.memref_slice %arg6[%rem3A_103, %dma_start3A_124, %dma_start3A_125] : memref<5x32x768xf32, #tpu.memory_space<vmem>> -> memref<1x32x768xf32, #tpu.memory_space<vmem>>
      %dma_start3A_127 = tpu.memref_squeeze %dma_start3A_126 : memref<1x32x768xf32, #tpu.memory_space<vmem>> -> memref<32x768xf32, #tpu.memory_space<vmem>>
      tpu.enqueue_dma source(%dma_start3A_127 : memref<32x768xf32, #tpu.memory_space<vmem>>) target(%dma_start3A_123 : memref<32x768xf32, #tpu.memory_space<hbm>>) target_semaphore(%arg8 : memref<!tpu.dma_semaphore, #tpu.memory_space<semaphore_mem>>)
      %dma_wait3A_128 = arith.constant 0 : i32
      %dma_wait3A_129 = arith.constant 0 : i32
      %dma_wait3A_130 = arith.constant 0 : i32
      %dma_wait3A_131 = tpu.memref_slice %arg6[%dma_wait3A_128, %dma_wait3A_129, %dma_wait3A_130] : memref<5x32x768xf32, #tpu.memory_space<vmem>> -> memref<1x32x768xf32, #tpu.memory_space<vmem>>
      %dma_wait3A_132 = tpu.memref_squeeze %dma_wait3A_131 : memref<1x32x768xf32, #tpu.memory_space<vmem>> -> memref<32x768xf32, #tpu.memory_space<vmem>>
      %dma_wait3A_133 = arith.constant 0 : i32
      %dma_wait3A_134 = tpu.memref_slice %arg4[%mul3A_2, %dma_wait3A_133] : memref<32768x768xf32, #tpu.memory_space<hbm>> -> memref<32x768xf32, #tpu.memory_space<hbm>>
      %dma_wait3A_135 = arith.constant 0 : i32
      %dma_wait3A_136 = tpu.memref_slice %arg4[%mul3A_2, %dma_wait3A_135] : memref<32768x768xf32, #tpu.memory_space<hbm>> -> memref<32x768xf32, #tpu.memory_space<hbm>>
      %dma_wait3A_137 = arith.constant 0 : i32
      %dma_wait3A_138 = arith.constant 0 : i32
      %dma_wait3A_139 = tpu.memref_slice %arg6[%dma_wait3A_128, %dma_wait3A_137, %dma_wait3A_138] : memref<5x32x768xf32, #tpu.memory_space<vmem>> -> memref<1x32x768xf32, #tpu.memory_space<vmem>>
      %dma_wait3A_140 = tpu.memref_squeeze %dma_wait3A_139 : memref<1x32x768xf32, #tpu.memory_space<vmem>> -> memref<32x768xf32, #tpu.memory_space<vmem>>
      tpu.wait_dma2 semaphore(%arg8 : memref<!tpu.dma_semaphore, #tpu.memory_space<semaphore_mem>>) src(%dma_wait3A_140 : memref<32x768xf32, #tpu.memory_space<vmem>>) dst(%dma_wait3A_136 : memref<32x768xf32, #tpu.memory_space<hbm>>)
      %add3A_141 = arith.constant 5 : i32
      %add3A_142 = arith.addi %scan3A_101, %add3A_141 : i32
      %mul3A_143 = arith.constant 32 : i32
      %mul3A_144 = arith.muli %add3A_142, %mul3A_143 : i32
      %dma_start3A_145 = arith.constant 0 : i32
      %dma_start3A_146 = arith.constant 0 : i32
      %dma_start3A_147 = tpu.memref_slice %arg6[%rem3A_103, %dma_start3A_145, %dma_start3A_146] : memref<5x32x768xf32, #tpu.memory_space<vmem>> -> memref<1x32x768xf32, #tpu.memory_space<vmem>>
      %dma_start3A_148 = tpu.memref_squeeze %dma_start3A_147 : memref<1x32x768xf32, #tpu.memory_space<vmem>> -> memref<32x768xf32, #tpu.memory_space<vmem>>
      %dma_start3A_149 = tpu.memref_slice %arg5[%mul3A_144] : memref<1024xi32, #tpu.memory_space<vmem>> -> memref<32xi32, #tpu.memory_space<vmem>>
      %dma_start3A_150 = arith.constant 0 : i32
      %dma_start3A_151 = arith.constant 0 : i32
      %dma_start3A_152 = tpu.memref_slice %arg3[%dma_start3A_150, %dma_start3A_151] : memref<8192x768xf32, #tpu.memory_space<hbm>> -> memref<8192x768xf32, #tpu.memory_space<hbm>>
      tpu.enqueue_indirect_dma source(%dma_start3A_152 : memref<8192x768xf32, #tpu.memory_space<hbm>>) target(%dma_start3A_148 : memref<32x768xf32, #tpu.memory_space<vmem>>) offsets(%dma_start3A_149 : memref<32xi32, #tpu.memory_space<vmem>>) semaphore(%arg7 : memref<!tpu.dma_semaphore, #tpu.memory_space<semaphore_mem>>)
    }
    %scan3A_88 = arith.constant 27 : i32
    %scan3A_89 = arith.constant 0 : i32
    %scan3A_90 = arith.constant 27 : i32
    %scan3A_91 = arith.constant 5 : i32
    %scan3A_92 = arith.addi %scan3A_90, %scan3A_91 : i32
    %scan3A_93 = arith.constant 1 : i32
    scf.for %scan3A_101 = %scan3A_90 to %scan3A_92 step %scan3A_93  : i32 {
      %dma_wait3A = arith.constant 0 : i32
      %dma_wait3A_102 = arith.constant 0 : i32
      %dma_wait3A_103 = arith.constant 0 : i32
      %dma_wait3A_104 = tpu.memref_slice %arg6[%dma_wait3A, %dma_wait3A_102, %dma_wait3A_103] : memref<5x32x768xf32, #tpu.memory_space<vmem>> -> memref<1x32x768xf32, #tpu.memory_space<vmem>>
      %dma_wait3A_105 = tpu.memref_squeeze %dma_wait3A_104 : memref<1x32x768xf32, #tpu.memory_space<vmem>> -> memref<32x768xf32, #tpu.memory_space<vmem>>
      %dma_wait3A_106 = arith.constant 0 : i32
      %dma_wait3A_107 = tpu.memref_slice %arg5[%dma_wait3A_106] : memref<1024xi32, #tpu.memory_space<vmem>> -> memref<32xi32, #tpu.memory_space<vmem>>
      %dma_wait3A_108 = arith.constant 0 : i32
      %dma_wait3A_109 = arith.constant 0 : i32
      %dma_wait3A_110 = tpu.memref_slice %arg3[%dma_wait3A_108, %dma_wait3A_109] : memref<8192x768xf32, #tpu.memory_space<hbm>> -> memref<8192x768xf32, #tpu.memory_space<hbm>>
      tpu.wait_indirect_dma semaphore(%arg7 : memref<!tpu.dma_semaphore, #tpu.memory_space<semaphore_mem>>) src(%dma_wait3A_110 : memref<8192x768xf32, #tpu.memory_space<hbm>>) dst(%dma_wait3A_105 : memref<32x768xf32, #tpu.memory_space<vmem>>)
      %rem3A_111 = arith.constant 5 : i32
      %rem3A_112 = arith.remsi %scan3A_101, %rem3A_111 : i32
      %mul3A_113 = arith.constant 32 : i32
      %mul3A_114 = arith.muli %scan3A_101, %mul3A_113 : i32
      %add3A_115 = arith.addi %mul3A_2, %mul3A_114 : i32
      %dma_start3A_116 = arith.constant 0 : i32
      %dma_start3A_117 = arith.constant 0 : i32
      %dma_start3A_118 = tpu.memref_slice %arg6[%rem3A_112, %dma_start3A_116, %dma_start3A_117] : memref<5x32x768xf32, #tpu.memory_space<vmem>> -> memref<1x32x768xf32, #tpu.memory_space<vmem>>
      %dma_start3A_119 = tpu.memref_squeeze %dma_start3A_118 : memref<1x32x768xf32, #tpu.memory_space<vmem>> -> memref<32x768xf32, #tpu.memory_space<vmem>>
      %dma_start3A_120 = arith.constant 0 : i32
      %dma_start3A_121 = tpu.memref_slice %arg4[%add3A_115, %dma_start3A_120] : memref<32768x768xf32, #tpu.memory_space<hbm>> -> memref<32x768xf32, #tpu.memory_space<hbm>>
      %dma_start3A_122 = arith.constant 0 : i32
      %dma_start3A_123 = tpu.memref_slice %arg4[%add3A_115, %dma_start3A_122] : memref<32768x768xf32, #tpu.memory_space<hbm>> -> memref<32x768xf32, #tpu.memory_space<hbm>>
      %dma_start3A_124 = arith.constant 0 : i32
      %dma_start3A_125 = arith.constant 0 : i32
      %dma_start3A_126 = tpu.memref_slice %arg6[%rem3A_112, %dma_start3A_124, %dma_start3A_125] : memref<5x32x768xf32, #tpu.memory_space<vmem>> -> memref<1x32x768xf32, #tpu.memory_space<vmem>>
      %dma_start3A_127 = tpu.memref_squeeze %dma_start3A_126 : memref<1x32x768xf32, #tpu.memory_space<vmem>> -> memref<32x768xf32, #tpu.memory_space<vmem>>
      tpu.enqueue_dma source(%dma_start3A_127 : memref<32x768xf32, #tpu.memory_space<vmem>>) target(%dma_start3A_123 : memref<32x768xf32, #tpu.memory_space<hbm>>) target_semaphore(%arg8 : memref<!tpu.dma_semaphore, #tpu.memory_space<semaphore_mem>>)
    }
    %scan3A_94 = arith.constant 5 : i32
    %scan3A_95 = arith.constant 0 : i32
    %scan3A_96 = arith.constant 0 : i32
    %scan3A_97 = arith.constant 5 : i32
    %scan3A_98 = arith.addi %scan3A_96, %scan3A_97 : i32
    %scan3A_99 = arith.constant 1 : i32
    scf.for %scan3A_101 = %scan3A_96 to %scan3A_98 step %scan3A_99  : i32 {
      %dma_wait3A = arith.constant 0 : i32
      %dma_wait3A_102 = arith.constant 0 : i32
      %dma_wait3A_103 = arith.constant 0 : i32
      %dma_wait3A_104 = tpu.memref_slice %arg6[%dma_wait3A, %dma_wait3A_102, %dma_wait3A_103] : memref<5x32x768xf32, #tpu.memory_space<vmem>> -> memref<1x32x768xf32, #tpu.memory_space<vmem>>
      %dma_wait3A_105 = tpu.memref_squeeze %dma_wait3A_104 : memref<1x32x768xf32, #tpu.memory_space<vmem>> -> memref<32x768xf32, #tpu.memory_space<vmem>>
      %dma_wait3A_106 = arith.constant 0 : i32
      %dma_wait3A_107 = tpu.memref_slice %arg4[%mul3A_2, %dma_wait3A_106] : memref<32768x768xf32, #tpu.memory_space<hbm>> -> memref<32x768xf32, #tpu.memory_space<hbm>>
      %dma_wait3A_108 = arith.constant 0 : i32
      %dma_wait3A_109 = tpu.memref_slice %arg4[%mul3A_2, %dma_wait3A_108] : memref<32768x768xf32, #tpu.memory_space<hbm>> -> memref<32x768xf32, #tpu.memory_space<hbm>>
      %dma_wait3A_110 = arith.constant 0 : i32
      %dma_wait3A_111 = arith.constant 0 : i32
      %dma_wait3A_112 = tpu.memref_slice %arg6[%dma_wait3A, %dma_wait3A_110, %dma_wait3A_111] : memref<5x32x768xf32, #tpu.memory_space<vmem>> -> memref<1x32x768xf32, #tpu.memory_space<vmem>>
      %dma_wait3A_113 = tpu.memref_squeeze %dma_wait3A_112 : memref<1x32x768xf32, #tpu.memory_space<vmem>> -> memref<32x768xf32, #tpu.memory_space<vmem>>
      tpu.wait_dma2 semaphore(%arg8 : memref<!tpu.dma_semaphore, #tpu.memory_space<semaphore_mem>>) src(%dma_wait3A_113 : memref<32x768xf32, #tpu.memory_space<vmem>>) dst(%dma_wait3A_109 : memref<32x768xf32, #tpu.memory_space<hbm>>)
    }
    %scan3A_100 = arith.constant 5 : i32
    return
  }
}

module attributes {stable_mosaic.version = 14 : i64} {
  func.func @_copy_body(%arg0: i32, %arg1: memref<2048x768xf32, #tpu.memory_space<vmem>>, %arg2: memref<2048x768xf32, #tpu.memory_space<vmem>>) attributes {dimension_semantics = [#tpu.dimension_semantics<arbitrary>], iteration_bounds = array<i64: 4>, scalar_prefetch = 0 : i64, scratch_operands = 0 : i64, tpu.core_type = #tpu.core_type<tc>, window_params = [{transform_indices = @transform_0, window_bounds = array<i64: 2048, 768>}, {transform_indices = @transform_1, window_bounds = array<i64: 2048, 768>}]} {
    %get3A = arith.constant 0 : index
    %get3A_0 = arith.constant 0 : index
    %get3A_1 = vector.load %arg1[%get3A, %get3A_0] : memref<2048x768xf32, #tpu.memory_space<vmem>>, vector<2048x768xf32>
    %swap3A = arith.constant 0 : index
    %swap3A_2 = arith.constant 0 : index
    %swap3A_3 = vector.load %arg2[%swap3A, %swap3A_2] : memref<2048x768xf32, #tpu.memory_space<vmem>>, vector<2048x768xf32>
    tpu.vector_store %arg2[%swap3A, %swap3A_2], %get3A_1 {strides = array<i32>} : memref<2048x768xf32, #tpu.memory_space<vmem>>, vector<2048x768xf32>,
    return
  }
  func.func @transform_0(%arg0: i32) -> (i32, i32) {
    %c0_i32 = arith.constant 0 : i32
    %c0_i32_0 = arith.constant 0 : i32
    return %arg0, %c0_i32 : i32, i32
  }
  func.func @transform_1(%arg0: i32) -> (i32, i32) {
    %c0_i32 = arith.constant 0 : i32
    %c0_i32_0 = arith.constant 0 : i32
    return %arg0, %c0_i32 : i32, i32
  }
}

</mosaic_0001>

<sc_bundles>
// kernel: kernel.4.cloned.1.call-start
scs
__scs_entry_jumppad:
0x0: {  	(pc) =	sbr.rel $0x88, $3  }
0x1: {  	(tag) =	ssettag $0x0;
	lr =	simm.s32 $0x1  }
0x2: {  	[smem:$0x3F9F] =	sst lr;
	_ =	strace $0xD0000000  }
0x3: {  	_ = 	snop  }
0x4: {  	_ = 	snop  }
0x5: {  	_ = 	snop  }
0x6: {  	_ = 	snop  }
0x7: {  	_ = 	snop  }
__scs_overlays_trampoline_lowered:
0x8: {  	[smem:$0x3FAE] =	sst s0  }
0x9: {  	[smem:$0x3FAF] =	sst s1  }
0xa: {  	[smem:$0x3FB0] =	sst s2  }
0xb: {  	[smem:$0x3FB1] =	sst s3  }
0xc: {  	[smem:$0x3FB2] =	sst s4  }
0xd: {  	[smem:$0x3FB3] =	sst s5  }
0xe: {  	[smem:$0x3FB4] =	sst s6  }
0xf: {  	[smem:$0x3FB5] =	sst s7  }
0x10: {  	[smem:$0x3FB6] =	sst s8  }
0x11: {  	[smem:$0x3FB7] =	sst s9;
	s0 =	simm.s32 @!p0 $0x0  }
0x12: {  	s1 =	sld [smem:$0x3F9D];
	s0 =	simm.s32 @p0 $0x1  }
0x13: {  	[smem:$0x3FB8] =	sst s0;
	s0 =	simm.s32 @!p1 $0x0  }
0x14: {  	s2 =	sld [smem:$0x3F9C];
	s0 =	simm.s32 @p1 $0x1  }
0x15: {  	[smem:$0x3FB9] =	sst s0;
	s0 =	simm.s32 @!p2 $0x0  }
0x16: {  	s3 =	sld [smem:$0x3FDB];
	s0 =	simm.s32 @p2 $0x1  }
0x17: {  	s4 =	simm.s32 $0x1BF5;
	[smem:$0x3FBB] =	sst s0  }
0x18: {  	s0 =	sld [smem:$0x3F9E];
	_ =	swait.ge [sflag:s4], $0x0  }
0x19: {  	s7 =	sld [smem:$0x3F9F]  }
0x1a: {  	s8 =	sadd.s32 $0xFFFFE003, lr  }
0x1b: {  	s9 =	sadd.s32 $0xFFFFFEF7, lr;
	s5 =	simm.s32 $0xFFFFFFFF;
	p2 =	slt.u32 s8, $0xFFFFF086  }
0x1c: {  	p1 =	slt.u32 s9, $0xF7A;
	s5 =	simm.s32 @!p2 $0x0  }
0x1d: {  	s5 =	simm.s32 @p1 $0x1;
	p0 =	seq.s32 s7, s2  }
0x1e: {  	s7 =	smul.u32 @!p0 $0xF7A, s2;
	p2 =	seq.s32 @!p0 s5, $0x0  }
0x1f: {  	s9 =	smul.u32 $0xF7A, s1;
	s8 =	simm.s32 @!p0 $0x1BF5;
	p2 =	por !p2, p0  }
0x20: {  	[sflag:s8] =	ssyncset.s32 @!p0 $0xFFFFF086;
	s6 =	sadd.s32 @!p0 s3, s7;
	s7 =	simm.s32 @!p0 $0x108  }
0x21: {  	s3 =	sadd.s32 s3, s9;
	s6 =	sadd.s32 @!p0 $0x88, s6;
	s7 =	simm.s32 @p2 $0x1082  }
0x22: {  	[simem:s7], [sflag:s8] =	dma.local @!p0 [hbm:s6], $0xF7A  }
0x23: {  	s9 =	sor.u32 $0xD0000000, s2;
	s6 =	simm.s32 $0x108;
	_ =	swait.ge @!p0 [sflag:s8], $0x0  }
0x24: {  	s3 =	sadd.s32 $0x88, s3;
	s6 =	simm.s32 @!p1 $0x1082;
	[sflag:s4] =	ssyncset.s32 $0xFFFFF086  }
0x25: {  	[simem:s6], [sflag:s4] =	dma.local [hbm:s3], $0xF7A  }
0x26: {  	[smem:$0x3F9F] =	sst s1;
	(tag) =	ssettag s2;
	_ =	strace s9  }
0x27: {  	s1 =	sld [smem:$0x3FAF]  }
0x28: {  	s2 =	sld [smem:$0x3FB0]  }
0x29: {  	s4 =	sld [smem:$0x3FB2]  }
0x2a: {  	p0 =	seq.s32 s5, $0x0;
	s5 =	sld [smem:$0x3FB3]  }
0x2b: {  	s6 =	sld [smem:$0x3FB4]  }
0x2c: {  	s7 =	sld [smem:$0x3FB5]  }
0x2d: {  	s3 =	simm.s32 $0x108;
	s8 =	sld [smem:$0x3FB6]  }
0x2e: {  	s3 =	simm.s32 @!p0 $0x1082;
	s9 =	sld [smem:$0x3FB7]  }
0x2f: {  	lr =	sadd.s32 s0, s3;
	s0 =	sld [smem:$0x3FAE]  }
0x30: {  	s3 =	sld [smem:$0x3FB1]  }
0x31: {  	[smem:$0x3FBA] =	sst s10  }
0x32: {  	s10 =	sld [smem:$0x3FB8];
	_ =	sdelay $0x3  }
0x33: {  	p0 =	seq.s32 s10, $0x1;
	s10 =	sld [smem:$0x3FBA];
	_ =	sdelay $0x3  }
0x34: {  	[smem:$0x3FBA] =	sst s10  }
0x35: {  	s10 =	sld [smem:$0x3FB9];
	_ =	sdelay $0x3  }
0x36: {  	p1 =	seq.s32 s10, $0x1;
	s10 =	sld [smem:$0x3FBA];
	_ =	sdelay $0x3  }
0x37: {  	[smem:$0x3FBA] =	sst s10  }
0x38: {  	s10 =	sld [smem:$0x3FBB]  }
0x39: {  	_ = 	snop;
	(pc) =	sbr.ind lr, $3  }
0x3a: {  	_ = 	snop  }
0x3b: {  	_ = 	snop  }
0x3c: {  	p2 =	seq.s32 s10, $0x1;
	s10 =	sld [smem:$0x3FBA]  }
0x3d: {  	_ =	shalt  }
0x3e: {  	_ =	shalt  }
0x3f: {  	_ =	shalt  }
0x40: {  	_ =	shalt  }
0x41: {  	_ =	shalt  }
0x42: {  	_ =	shalt  }
0x43: {  	_ =	shalt  }
0x44: {  	_ =	shalt  }
0x45: {  	_ =	shalt  }
0x46: {  	_ =	shalt  }
0x47: {  	_ =	shalt  }
0x48: {  	_ =	shalt  }
0x49: {  	_ =	shalt  }
0x4a: {  	_ =	shalt  }
0x4b: {  	_ =	shalt  }
0x4c: {  	_ =	shalt  }
0x4d: {  	_ =	shalt  }
0x4e: {  	_ =	shalt  }
0x4f: {  	_ =	shalt  }
0x50: {  	_ =	shalt  }
0x51: {  	_ =	shalt  }
0x52: {  	_ =	shalt  }
0x53: {  	_ =	shalt  }
0x54: {  	_ =	shalt  }
0x55: {  	_ =	shalt  }
0x56: {  	_ =	shalt  }
0x57: {  	_ =	shalt  }
0x58: {  	_ =	shalt  }
0x59: {  	_ =	shalt  }
0x5a: {  	_ =	shalt  }
0x5b: {  	_ =	shalt  }
0x5c: {  	_ =	shalt  }
0x5d: {  	_ =	shalt  }
0x5e: {  	_ =	shalt  }
0x5f: {  	_ =	shalt  }
0x60: {  	_ =	shalt  }
0x61: {  	_ =	shalt  }
0x62: {  	_ =	shalt  }
0x63: {  	_ =	shalt  }
0x64: {  	_ =	shalt  }
0x65: {  	_ =	shalt  }
0x66: {  	_ =	shalt  }
0x67: {  	_ =	shalt  }
0x68: {  	_ =	shalt  }
0x69: {  	_ =	shalt  }
0x6a: {  	_ =	shalt  }
0x6b: {  	_ =	shalt  }
0x6c: {  	_ =	shalt  }
0x6d: {  	_ =	shalt  }
0x6e: {  	_ =	shalt  }
0x6f: {  	_ =	shalt  }
0x70: {  	_ =	shalt  }
0x71: {  	_ =	shalt  }
0x72: {  	_ =	shalt  }
0x73: {  	_ =	shalt  }
0x74: {  	_ =	shalt  }
0x75: {  	_ =	shalt  }
0x76: {  	_ =	shalt  }
0x77: {  	_ =	shalt  }
0x78: {  	_ =	shalt  }
0x79: {  	_ =	shalt  }
0x7a: {  	_ =	shalt  }
0x7b: {  	_ =	shalt  }
0x7c: {  	_ =	shalt  }
0x7d: {  	_ =	shalt  }
0x7e: {  	_ =	shalt  }
0x7f: {  	_ =	shalt  }
0x80: {  	_ =	shalt  }
0x81: {  	_ =	shalt  }
0x82: {  	_ =	shalt  }
0x83: {  	_ =	shalt  }
0x84: {  	_ =	shalt  }
0x85: {  	_ =	shalt  }
0x86: {  	_ =	shalt  }
0x87: {  	_ =	shalt  }
.Lfunc_end0:
.L_simem_size_0:
called_computation_lowered:
.L_overlay_start_0:
0x88: {  	s2 =	sld [smem:$0x3FD9]  }
0x89: {  	s3 =	sld [smem:$0x3FFE];
	_ =	sdelay $0x1  }
0x8a: {  	s1 =	srdreg.scid  }
0x8b: {  	s0 =	sand.u32 $0x1, s1  }
0x8c: {  	s15 =	sshll.u32 s0, $0xA;
	s2 =	sadd.s32 s3, s2  }
0x8d: {  	s2 =	sadd.s32 s2, s15  }
0x8e: {  	[smem:$0x3FC6] =	sst s2  }
0x8f: {  	_ = 	snop  }
0x90: {  	s2 =	sld [smem:$0x3FD0];
	_ =	sdelay $0x1  }
0x91: {  	s16 =	sld [smem:$0x3FC9]  }
0x92: {  	s5 =	simm.s32 $0xA;
	s6 =	simm.s32 $0x10;
	s4 =	sld [smem:$0x3FC8]  }
0x93: {  	[smem:s6], [sflag:s5] =	dma.local [hbm:s2], $0x1  }
0x94: {  	_ =	swait.eq [sflag:s5], $0x1  }
0x95: {  	[sflag:s5] =	ssyncset.done $0x0  }
0x96: {  	[sflag:s5] =	ssyncadd.s32 $0xFFFFFFFF  }
0x97: {  	s17 =	sld [smem:$0x10];
	(tm) =	ssettm $0x1  }
0x98: {  	s18 =	sld [smem:$0x3FFB];
	_ =	sdelay $0x3  }
0x99: {  	_ =	strace s18  }
0x9a: {  	s5 =	sld [smem:$0x3FFC];
	_ =	sdelay $0x3  }
0x9b: {  	_ =	strace s5  }
0x9c: {  	s5 =	sld [smem:$0x3FFD];
	_ =	sdelay $0x3  }
0x9d: {  	_ =	strace s5  }
0x9e: {  	_ =	strace $0x8FFFFFFF  }
0x9f: {  	s19 =	sld [smem:$0x3FDB];
	_ =	sdelay $0x1  }
0xa0: {  	s20 =	simm.s32 $_scs_section_size  }
0xa1: {  	s7 =	simm.s32 $_size__tile_overlayer_lowered;
	s8 =	simm.s32 $_tile_overlayer_lowered  }
0xa2: {  	s23 =	simm.s32 $0x1BFF;
	s22 =	sshll.u32 s8, $0x1;
	s5 =	sadd.s32 s20, s19  }
0xa3: {  	s9 =	simm.s32 $0x0;
	s21 =	sshll.u32 s7, $0x1;
	s7 =	sadd.s32 s22, s5  }
0xa4: {  	[timem:s9], [sflag:s23] =	dma.local [hbm:s7], s21  }
0xa5: {  	_ =	swait.ge [sflag:s23], s21  }
0xa6: {  	s6 =	ssub.s32 $0x0, s21;
	[sflag:s23] =	ssyncset.done $0x0  }
0xa7: {  	[sflag:s23] =	ssyncadd.s32 s6;
	_ =	sdelay $0x1  }
0xa8: {  	s24 =	simm.s32 $0x1B8B  }
0xa9: {  	_ =	swait.ge [sflag:s24], $0x1  }
0xaa: {  	[sflag:s24] =	ssyncset.done $0x0  }
0xab: {  	s25 =	simm.s32 $0x1B8E;
	[sflag:s24] =	ssyncadd.s32 $0xFFFFFFFF  }
0xac: {  	s26 =	simm.s32 $execute0_lowered;
	[smem:$0x3FD2] =	sst s25  }
0xad: {  	s6 =	sshll.u32 s26, $0x1;
	_ =	strace $0x80000046;
	[dreg:$0x1] =	wrdreg $0xFFFFFFFF  }
0xae: {  	s28 =	simm.s32 $_size_execute0_lowered;
	s5 =	sadd.s32 s5, s6;
	[dreg:$0x0] =	wrdreg $0x0  }
0xaf: {  	s6 =	sshll.u32 s28, $0x1;
	[dreg:$0x2] =	wrdreg s5  }
0xb0: {  	[dreg:$0x3] =	wrdreg s6  }
0xb1: {  	[dreg:$0x4] =	wrdreg $0xC0  }
0xb2: {  	_ =	task [dreg:s9], $0x5FFFF  }
0xb3: {  	[dreg:$0x1] =	wrdreg $0xFFFFFFFF  }
0xb4: {  	[dreg:$0x0] =	wrdreg $0x60  }
0xb5: {  	[dreg:$0x2] =	wrdreg s16  }
0xb6: {  	[dreg:$0x3] =	wrdreg s4  }
0xb7: {  	[dreg:$0x4] =	wrdreg s17  }
0xb8: {  	[dreg:$0x5] =	wrdreg $0x9  }
0xb9: {  	_ =	task.clear_ibuf [dreg:s9], $0x6FFFF;
	_ =	strace $0x90000046  }
0xba: {  	s29 =	simm.s32 $0x9;
	_ =	strace $0x80000048  }
0xbb: {  	_ =	swait.ge [sflag:s29], $0x1  }
0xbc: {  	[sflag:s29] =	ssyncadd.s32 $0xFFFFFFFF  }
0xbd: {  	_ =	strace $0x90000048  }
0xbe: {  	_ =	sfence  }
0xbf: {  	s30 =	sld [smem:$0x0];
	_ =	sdelay $0x2  }
0xc0: {  	s31 =	sshll.u32 s1, $0xD;
	s1 =	sshrl.u32 s1, $0x2  }
0xc1: {  	s3 =	sand.u32 $0x4000, s31;
	s1 =	sadd.s32 s1, s30  }
0xc2: {  	s0 =	sor.u32 s3, s0;
	s1 =	sshll.u32 s1, $0x11  }
0xc3: {  	s0 =	sor.u32 s1, s0  }
0xc4: {  	s0 =	sadd.s32 $0x8F2B, s0  }
0xc5: {  	[sflag:s0] =	ssyncadd.remote.s32 $0x1  }
0xc6: {  	_ =	sfence.sel $0xFFFF  }
0xc7: {  	[dreg:$0x0] =	wrdreg $0xFFFFFFFF;
	(pc) =	sbr.abs _section_cstart, $3  }
0xc8: {  	[dreg:$0x1] =	wrdreg $0xFFFFFFFF  }
0xc9: {  	_ =	task.clear_ibuf [dreg:s9], $0x2FFFF;
	_ =	strace $0x9FFFFFFF  }
0xca: {  	(tm) =	ssettm $0x7FFFFFFF  }
0xcb: {  	_ =	shalt  }
tec
execute0_lowered:
.L_overlay_start_1:
0x0: {  	(tag) =	ssettag $0x1  }
0x1: {  	s0 =	rddreg [dreg:$0x0]  }
0x2: {  	s1 =	rddreg [dreg:$0x1]  }
0x3: {  	s2 =	rddreg [dreg:$0x2];
	s3 =	simm.s32 $0x0;
	s4 =	srdreg.scid  }
0x4: {  	s10 =	stileid.u32;
	s16 =	simm.s32 $0x3;
	s17 =	simm.s32 $0x400  }
0x5: {  	s30 =	simm.s32 $0x6400;
	s20 =	simm.s32 $0x12400;
	s15 =	simm.s32 $0x18400  }
0x6: {  	s31 =	simm.s32 $0x1D400;
	s14 =	simm.s32 $0x2;
	s18 =	simm.s32 $0x0  }
0x7: {  	[smem:$0x7FF] =	sst s3;
	s4 =	sand.u32 $0x1, s4;
	s5 =	sshll.u32 s10, $0x1  }
0x8: {  	s9 =	sshll.u32 s10, $0x2;
	s26 =	sshll.u32 s10, $0xB;
	_ =	strace $0x80000047  }
0x9: {  	s6 =	ssub.s32 $0x2, s4;
	s5 =	sor.u32 s4, s5;
	s25 =	sand.u32 $0x30, s9  }
0xa: {  	s28 =	sshll.u32 s4, $0xA;
	s7 =	sshrl.u32 s6, $0x1;
	s8 =	sshll.u32 s5, $0x9  }
0xb: {  	s0 =	sadd.s32 s0, s25;
	s29 =	smul.u32 $0x18000, s5;
	s5 =	sadd.s32 $0x100, s1  }
0xc: {  	s7 =	ssub.s32 s6, s7;
	s24 =	sand.u32 $0xE00, s8;
	s8 =	sor.u32 s28, s26  }
0xd: {  	s6 =	sadd.s32 $0x200, s1;
	s4 =	sadd.s32 s24, s0;
	s8 =	sshrl.u32 s8, $0x3  }
0xe: {  	s7 =	smax.u32 s7, $0x1;
	s0 =	sadd.s32 s2, s29;
	s24 =	simm.s32 $0xC400  }
0xf: {  	v2 =	vlaneseq.u32;
	s13 =	smul.u32 $0x300, s8;
	s8 =	sadd.s32 $0x14400, s0;
	s9 =	sadd.s32 $0x15000, s0  }
0x10: {  	vm0 =	vmmov $0xffff;
	v1 =	vshrl.u32 v2, $0x3;
	s10 =	sadd.s32 $0x15C00, s0;
	s11 =	sadd.s32 $0x16800, s0;
	s12 =	sadd.s32 $0x17400, s0  }
0x11: {  	v0 =	vand.u32 $0x7, v2;
	v2 =	vor.u32 $0x8, v2;
	v1 =	vmul.u32 $0x8, v1;
	s0 =	simm.s32 $0x1DC00;
	s13 =	sadd.s32 s13, s2;
	s2 =	simm.s32 $0x1  }
.LBB2_1:
0x12: {  	s19 =	simm.s32 $0x80;
	s21 =	simm.s32 $0x200  }
0x13: {  	[tilespmem:s3], [sflag:$0x3] =	stream.strided.gather [hbm4b:s4+s19], $0x400, s21, s19, $0x38;
	[tilespmem:$0x1E400] =	vst v63  }
0x14: {  	_ =	swait.ge [sflag:s16], $0x400  }
0x15: {  	[sflag:s16] =	ssyncset.done $0x0  }
0x16: {  	[sflag:s16] =	ssyncadd.s32 $0xFFFFFC00  }
0x17: {  	v3 =	vld [tilespmem:$0x0];
	_ =	sdelay $0x4  }
0x18: {  	v4 =	vshrl.u32 v3, $0x3  }
0x19: {  	v4 =	vmul.u32 $0x30, v4  }
0x1a: {  	v3 =	vand.u32 $0x7, v3  }
0x1b: {  	v3 =	vor.u32 v3, v4  }
0x1c: {  	v4 =	vperm.xlane v3, v0;
	_ =	sdelay $0x1  }
0x1d: {  	v4 =	vadd.s32 v1, v4;
	_ =	sdelay $0x3  }
0x1e: {  	v3 =	vperm.xlane v3, v2  }
0x1f: {  	[tilespmem:s17], [sflag:$0x1] =	stream.indirect_vreg.gather [hbm4b:s1+s3], $0x80, v4, vm0, $0xb8;
	[tilespmem:$0x1E400] =	vst v63  }
0x20: {  	s23 =	simm.s32 $0xC00;
	v3 =	vadd.s32 v1, v3  }
0x21: {  	[tilespmem:s23], [sflag:$0x1] =	stream.indirect_vreg.gather [hbm4b:s5+s3], $0x80, v4, vm0, $0xb8;
	[tilespmem:$0x1E400] =	vst v63  }
0x22: {  	s25 =	simm.s32 $0x1400  }
0x23: {  	[tilespmem:s25], [sflag:$0x1] =	stream.indirect_vreg.gather [hbm4b:s6+s3], $0x80, v4, vm0, $0xb8;
	[tilespmem:$0x1E400] =	vst v63  }
0x24: {  	s26 =	simm.s32 $0x1C00  }
0x25: {  	[tilespmem:s26], [sflag:$0x1] =	stream.indirect_vreg.gather [hbm4b:s1+s3], $0x80, v3, vm0, $0xb8;
	[tilespmem:$0x1E400] =	vst v63  }
0x26: {  	s28 =	simm.s32 $0x2400  }
0x27: {  	[tilespmem:s28], [sflag:$0x1] =	stream.indirect_vreg.gather [hbm4b:s5+s3], $0x80, v3, vm0, $0xb8;
	[tilespmem:$0x1E400] =	vst v63  }
0x28: {  	s21 =	simm.s32 $0x2C00  }
0x29: {  	[tilespmem:s21], [sflag:$0x1] =	stream.indirect_vreg.gather [hbm4b:s6+s3], $0x80, v3, vm0, $0xb8;
	[tilespmem:$0x1E400] =	vst v63  }
0x2a: {  	v3 =	vld [tilespmem:$0x10];
	_ =	sdelay $0x4  }
0x2b: {  	v4 =	vshrl.u32 v3, $0x3  }
0x2c: {  	v4 =	vmul.u32 $0x30, v4  }
0x2d: {  	v3 =	vand.u32 $0x7, v3  }
0x2e: {  	v3 =	vor.u32 v3, v4  }
0x2f: {  	v4 =	vperm.xlane v3, v0;
	_ =	sdelay $0x1  }
0x30: {  	v4 =	vadd.s32 v1, v4;
	_ =	sdelay $0x3  }
0x31: {  	s22 =	simm.s32 $0x3400;
	v3 =	vperm.xlane v3, v2  }
0x32: {  	[tilespmem:s22], [sflag:$0x1] =	stream.indirect_vreg.gather [hbm4b:s1+s3], $0x80, v4, vm0, $0xb8;
	[tilespmem:$0x1E400] =	vst v63  }
0x33: {  	s23 =	simm.s32 $0x3C00;
	v3 =	vadd.s32 v1, v3  }
0x34: {  	[tilespmem:s23], [sflag:$0x1] =	stream.indirect_vreg.gather [hbm4b:s5+s3], $0x80, v4, vm0, $0xb8;
	[tilespmem:$0x1E400] =	vst v63  }
0x35: {  	s25 =	simm.s32 $0x4400  }
0x36: {  	[tilespmem:s25], [sflag:$0x1] =	stream.indirect_vreg.gather [hbm4b:s6+s3], $0x80, v4, vm0, $0xb8;
	[tilespmem:$0x1E400] =	vst v63  }
0x37: {  	s26 =	simm.s32 $0x4C00  }
0x38: {  	[tilespmem:s26], [sflag:$0x1] =	stream.indirect_vreg.gather [hbm4b:s1+s3], $0x80, v3, vm0, $0xb8;
	[tilespmem:$0x1E400] =	vst v63  }
0x39: {  	s28 =	simm.s32 $0x5400  }
0x3a: {  	[tilespmem:s28], [sflag:$0x1] =	stream.indirect_vreg.gather [hbm4b:s5+s3], $0x80, v3, vm0, $0xb8;
	[tilespmem:$0x1E400] =	vst v63  }
0x3b: {  	s21 =	simm.s32 $0x5C00  }
0x3c: {  	[tilespmem:s21], [sflag:$0x1] =	stream.indirect_vreg.gather [hbm4b:s6+s3], $0x80, v3, vm0, $0xb8;
	[tilespmem:$0x1E400] =	vst v63  }
0x3d: {  	v3 =	vld [tilespmem:$0x20];
	_ =	sdelay $0x4  }
0x3e: {  	v4 =	vshrl.u32 v3, $0x3  }
0x3f: {  	v4 =	vmul.u32 $0x30, v4  }
0x40: {  	v3 =	vand.u32 $0x7, v3  }
0x41: {  	v3 =	vor.u32 v3, v4  }
0x42: {  	v4 =	vperm.xlane v3, v0;
	_ =	sdelay $0x1  }
0x43: {  	v4 =	vadd.s32 v1, v4;
	_ =	sdelay $0x3  }
0x44: {  	v3 =	vperm.xlane v3, v2  }
0x45: {  	[tilespmem:s30], [sflag:$0x1] =	stream.indirect_vreg.gather [hbm4b:s1+s3], $0x80, v4, vm0, $0xb8;
	[tilespmem:$0x1E400] =	vst v63  }
0x46: {  	s22 =	simm.s32 $0x6C00;
	v3 =	vadd.s32 v1, v3  }
0x47: {  	[tilespmem:s22], [sflag:$0x1] =	stream.indirect_vreg.gather [hbm4b:s5+s3], $0x80, v4, vm0, $0xb8;
	[tilespmem:$0x1E400] =	vst v63  }
0x48: {  	s23 =	simm.s32 $0x7400  }
0x49: {  	[tilespmem:s23], [sflag:$0x1] =	stream.indirect_vreg.gather [hbm4b:s6+s3], $0x80, v4, vm0, $0xb8;
	[tilespmem:$0x1E400] =	vst v63  }
0x4a: {  	s25 =	simm.s32 $0x7C00  }
0x4b: {  	[tilespmem:s25], [sflag:$0x1] =	stream.indirect_vreg.gather [hbm4b:s1+s3], $0x80, v3, vm0, $0xb8;
	[tilespmem:$0x1E400] =	vst v63  }
0x4c: {  	s26 =	simm.s32 $0x8400  }
0x4d: {  	[tilespmem:s26], [sflag:$0x1] =	stream.indirect_vreg.gather [hbm4b:s5+s3], $0x80, v3, vm0, $0xb8;
	[tilespmem:$0x1E400] =	vst v63  }
0x4e: {  	s28 =	simm.s32 $0x8C00  }
0x4f: {  	[tilespmem:s28], [sflag:$0x1] =	stream.indirect_vreg.gather [hbm4b:s6+s3], $0x80, v3, vm0, $0xb8;
	[tilespmem:$0x1E400] =	vst v63  }
0x50: {  	v3 =	vld [tilespmem:$0x30];
	_ =	sdelay $0x4  }
0x51: {  	v4 =	vshrl.u32 v3, $0x3  }
0x52: {  	v4 =	vmul.u32 $0x30, v4  }
0x53: {  	v3 =	vand.u32 $0x7, v3  }
0x54: {  	v3 =	vor.u32 v3, v4  }
0x55: {  	v4 =	vperm.xlane v3, v0;
	_ =	sdelay $0x1  }
0x56: {  	v4 =	vadd.s32 v1, v4;
	_ =	sdelay $0x3  }
0x57: {  	s21 =	simm.s32 $0x9400;
	v3 =	vperm.xlane v3, v2  }
0x58: {  	[tilespmem:s21], [sflag:$0x1] =	stream.indirect_vreg.gather [hbm4b:s1+s3], $0x80, v4, vm0, $0xb8;
	[tilespmem:$0x1E400] =	vst v63  }
0x59: {  	s22 =	simm.s32 $0x9C00;
	v3 =	vadd.s32 v1, v3  }
0x5a: {  	[tilespmem:s22], [sflag:$0x1] =	stream.indirect_vreg.gather [hbm4b:s5+s3], $0x80, v4, vm0, $0xb8;
	[tilespmem:$0x1E400] =	vst v63  }
0x5b: {  	s23 =	simm.s32 $0xA400  }
0x5c: {  	[tilespmem:s23], [sflag:$0x1] =	stream.indirect_vreg.gather [hbm4b:s6+s3], $0x80, v4, vm0, $0xb8;
	[tilespmem:$0x1E400] =	vst v63  }
0x5d: {  	s25 =	simm.s32 $0xAC00  }
0x5e: {  	[tilespmem:s25], [sflag:$0x1] =	stream.indirect_vreg.gather [hbm4b:s1+s3], $0x80, v3, vm0, $0xb8;
	[tilespmem:$0x1E400] =	vst v63  }
0x5f: {  	s26 =	simm.s32 $0xB400  }
0x60: {  	[tilespmem:s26], [sflag:$0x1] =	stream.indirect_vreg.gather [hbm4b:s5+s3], $0x80, v3, vm0, $0xb8;
	[tilespmem:$0x1E400] =	vst v63  }
0x61: {  	s28 =	simm.s32 $0xBC00  }
0x62: {  	[tilespmem:s28], [sflag:$0x1] =	stream.indirect_vreg.gather [hbm4b:s6+s3], $0x80, v3, vm0, $0xb8;
	[tilespmem:$0x1E400] =	vst v63  }
0x63: {  	v3 =	vld [tilespmem:$0x40];
	_ =	sdelay $0x4  }
0x64: {  	v4 =	vshrl.u32 v3, $0x3  }
0x65: {  	v4 =	vmul.u32 $0x30, v4  }
0x66: {  	v3 =	vand.u32 $0x7, v3  }
0x67: {  	v3 =	vor.u32 v3, v4  }
0x68: {  	v4 =	vperm.xlane v3, v0;
	_ =	sdelay $0x1  }
0x69: {  	v4 =	vadd.s32 v1, v4;
	_ =	sdelay $0x3  }
0x6a: {  	v3 =	vperm.xlane v3, v2  }
0x6b: {  	[tilespmem:s24], [sflag:$0x1] =	stream.indirect_vreg.gather [hbm4b:s1+s3], $0x80, v4, vm0, $0xb8;
	[tilespmem:$0x1E400] =	vst v63  }
0x6c: {  	s21 =	simm.s32 $0xCC00;
	v3 =	vadd.s32 v1, v3  }
0x6d: {  	[tilespmem:s21], [sflag:$0x1] =	stream.indirect_vreg.gather [hbm4b:s5+s3], $0x80, v4, vm0, $0xb8;
	[tilespmem:$0x1E400] =	vst v63  }
0x6e: {  	s22 =	simm.s32 $0xD400  }
0x6f: {  	[tilespmem:s22], [sflag:$0x1] =	stream.indirect_vreg.gather [hbm4b:s6+s3], $0x80, v4, vm0, $0xb8;
	[tilespmem:$0x1E400] =	vst v63  }
0x70: {  	s23 =	simm.s32 $0xDC00  }
0x71: {  	[tilespmem:s23], [sflag:$0x1] =	stream.indirect_vreg.gather [hbm4b:s1+s3], $0x80, v3, vm0, $0xb8;
	[tilespmem:$0x1E400] =	vst v63  }
0x72: {  	s25 =	simm.s32 $0xE400  }
0x73: {  	[tilespmem:s25], [sflag:$0x1] =	stream.indirect_vreg.gather [hbm4b:s5+s3], $0x80, v3, vm0, $0xb8;
	[tilespmem:$0x1E400] =	vst v63  }
0x74: {  	s26 =	simm.s32 $0xEC00  }
0x75: {  	[tilespmem:s26], [sflag:$0x1] =	stream.indirect_vreg.gather [hbm4b:s6+s3], $0x80, v3, vm0, $0xb8;
	[tilespmem:$0x1E400] =	vst v63  }
0x76: {  	v3 =	vld [tilespmem:$0x50];
	_ =	sdelay $0x4  }
0x77: {  	v4 =	vshrl.u32 v3, $0x3  }
0x78: {  	v4 =	vmul.u32 $0x30, v4  }
0x79: {  	v3 =	vand.u32 $0x7, v3  }
0x7a: {  	v3 =	vor.u32 v3, v4  }
0x7b: {  	v4 =	vperm.xlane v3, v0;
	_ =	sdelay $0x1  }
0x7c: {  	v4 =	vadd.s32 v1, v4;
	_ =	sdelay $0x3  }
0x7d: {  	s28 =	simm.s32 $0xF400;
	v3 =	vperm.xlane v3, v2  }
0x7e: {  	[tilespmem:s28], [sflag:$0x1] =	stream.indirect_vreg.gather [hbm4b:s1+s3], $0x80, v4, vm0, $0xb8;
	[tilespmem:$0x1E400] =	vst v63  }
0x7f: {  	s21 =	simm.s32 $0xFC00;
	v3 =	vadd.s32 v1, v3  }
0x80: {  	[tilespmem:s21], [sflag:$0x1] =	stream.indirect_vreg.gather [hbm4b:s5+s3], $0x80, v4, vm0, $0xb8;
	[tilespmem:$0x1E400] =	vst v63  }
0x81: {  	s22 =	simm.s32 $0x10400  }
0x82: {  	[tilespmem:s22], [sflag:$0x1] =	stream.indirect_vreg.gather [hbm4b:s6+s3], $0x80, v4, vm0, $0xb8;
	[tilespmem:$0x1E400] =	vst v63  }
0x83: {  	s23 =	simm.s32 $0x10C00  }
0x84: {  	[tilespmem:s23], [sflag:$0x1] =	stream.indirect_vreg.gather [hbm4b:s1+s3], $0x80, v3, vm0, $0xb8;
	[tilespmem:$0x1E400] =	vst v63  }
0x85: {  	s25 =	simm.s32 $0x11400  }
0x86: {  	[tilespmem:s25], [sflag:$0x1] =	stream.indirect_vreg.gather [hbm4b:s5+s3], $0x80, v3, vm0, $0xb8;
	[tilespmem:$0x1E400] =	vst v63  }
0x87: {  	s26 =	simm.s32 $0x11C00  }
0x88: {  	[tilespmem:s26], [sflag:$0x1] =	stream.indirect_vreg.gather [hbm4b:s6+s3], $0x80, v3, vm0, $0xb8;
	[tilespmem:$0x1E400] =	vst v63  }
0x89: {  	v3 =	vld [tilespmem:$0x60];
	_ =	sdelay $0x4  }
0x8a: {  	v4 =	vshrl.u32 v3, $0x3  }
0x8b: {  	v4 =	vmul.u32 $0x30, v4  }
0x8c: {  	v3 =	vand.u32 $0x7, v3  }
0x8d: {  	v3 =	vor.u32 v3, v4  }
0x8e: {  	v4 =	vperm.xlane v3, v0;
	_ =	sdelay $0x1  }
0x8f: {  	v4 =	vadd.s32 v1, v4;
	_ =	sdelay $0x3  }
0x90: {  	v3 =	vperm.xlane v3, v2  }
0x91: {  	[tilespmem:s20], [sflag:$0x1] =	stream.indirect_vreg.gather [hbm4b:s1+s3], $0x80, v4, vm0, $0xb8;
	[tilespmem:$0x1E400] =	vst v63  }
0x92: {  	s28 =	simm.s32 $0x12C00;
	v3 =	vadd.s32 v1, v3  }
0x93: {  	[tilespmem:s28], [sflag:$0x1] =	stream.indirect_vreg.gather [hbm4b:s5+s3], $0x80, v4, vm0, $0xb8;
	[tilespmem:$0x1E400] =	vst v63  }
0x94: {  	s21 =	simm.s32 $0x13400  }
0x95: {  	[tilespmem:s21], [sflag:$0x1] =	stream.indirect_vreg.gather [hbm4b:s6+s3], $0x80, v4, vm0, $0xb8;
	[tilespmem:$0x1E400] =	vst v63  }
0x96: {  	s22 =	simm.s32 $0x13C00  }
0x97: {  	[tilespmem:s22], [sflag:$0x1] =	stream.indirect_vreg.gather [hbm4b:s1+s3], $0x80, v3, vm0, $0xb8;
	[tilespmem:$0x1E400] =	vst v63  }
0x98: {  	s23 =	simm.s32 $0x14400  }
0x99: {  	[tilespmem:s23], [sflag:$0x1] =	stream.indirect_vreg.gather [hbm4b:s5+s3], $0x80, v3, vm0, $0xb8;
	[tilespmem:$0x1E400] =	vst v63  }
0x9a: {  	s25 =	simm.s32 $0x14C00  }
0x9b: {  	[tilespmem:s25], [sflag:$0x1] =	stream.indirect_vreg.gather [hbm4b:s6+s3], $0x80, v3, vm0, $0xb8;
	[tilespmem:$0x1E400] =	vst v63  }
0x9c: {  	v3 =	vld [tilespmem:$0x70];
	_ =	sdelay $0x4  }
0x9d: {  	v4 =	vshrl.u32 v3, $0x3  }
0x9e: {  	v4 =	vmul.u32 $0x30, v4  }
0x9f: {  	v3 =	vand.u32 $0x7, v3  }
0xa0: {  	v3 =	vor.u32 v3, v4  }
0xa1: {  	v4 =	vperm.xlane v3, v0;
	_ =	sdelay $0x1  }
0xa2: {  	v4 =	vadd.s32 v1, v4;
	_ =	sdelay $0x3  }
0xa3: {  	s26 =	simm.s32 $0x15400;
	v3 =	vperm.xlane v3, v2  }
0xa4: {  	[tilespmem:s26], [sflag:$0x1] =	stream.indirect_vreg.gather [hbm4b:s1+s3], $0x80, v4, vm0, $0xb8;
	[tilespmem:$0x1E400] =	vst v63  }
0xa5: {  	s28 =	simm.s32 $0x15C00;
	v3 =	vadd.s32 v1, v3  }
0xa6: {  	[tilespmem:s28], [sflag:$0x1] =	stream.indirect_vreg.gather [hbm4b:s5+s3], $0x80, v4, vm0, $0xb8;
	[tilespmem:$0x1E400] =	vst v63  }
0xa7: {  	s21 =	simm.s32 $0x16400  }
0xa8: {  	[tilespmem:s21], [sflag:$0x1] =	stream.indirect_vreg.gather [hbm4b:s6+s3], $0x80, v4, vm0, $0xb8;
	[tilespmem:$0x1E400] =	vst v63  }
0xa9: {  	s22 =	simm.s32 $0x16C00  }
0xaa: {  	[tilespmem:s22], [sflag:$0x1] =	stream.indirect_vreg.gather [hbm4b:s1+s3], $0x80, v3, vm0, $0xb8;
	[tilespmem:$0x1E400] =	vst v63  }
0xab: {  	s23 =	simm.s32 $0x17400  }
0xac: {  	[tilespmem:s23], [sflag:$0x1] =	stream.indirect_vreg.gather [hbm4b:s5+s3], $0x80, v3, vm0, $0xb8;
	[tilespmem:$0x1E400] =	vst v63  }
0xad: {  	s25 =	simm.s32 $0x17C00  }
0xae: {  	[tilespmem:s25], [sflag:$0x1] =	stream.indirect_vreg.gather [hbm4b:s6+s3], $0x80, v3, vm0, $0xb8;
	[tilespmem:$0x1E400] =	vst v63  }
0xaf: {  	v3 =	vld [tilespmem:$0x80];
	_ =	sdelay $0x4  }
0xb0: {  	v4 =	vshrl.u32 v3, $0x3  }
0xb1: {  	v4 =	vmul.u32 $0x30, v4  }
0xb2: {  	v3 =	vand.u32 $0x7, v3  }
0xb3: {  	v3 =	vor.u32 v3, v4  }
0xb4: {  	v4 =	vperm.xlane v3, v0;
	_ =	sdelay $0x1  }
0xb5: {  	v4 =	vadd.s32 v1, v4;
	_ =	sdelay $0x3  }
0xb6: {  	v3 =	vperm.xlane v3, v2  }
0xb7: {  	[tilespmem:s15], [sflag:$0x1] =	stream.indirect_vreg.gather [hbm4b:s1+s3], $0x80, v4, vm0, $0xb8;
	[tilespmem:$0x1E400] =	vst v63  }
0xb8: {  	s26 =	simm.s32 $0x18C00;
	v3 =	vadd.s32 v1, v3  }
0xb9: {  	[tilespmem:s26], [sflag:$0x1] =	stream.indirect_vreg.gather [hbm4b:s5+s3], $0x80, v4, vm0, $0xb8;
	[tilespmem:$0x1E400] =	vst v63  }
0xba: {  	s28 =	simm.s32 $0x19400  }
0xbb: {  	[tilespmem:s28], [sflag:$0x1] =	stream.indirect_vreg.gather [hbm4b:s6+s3], $0x80, v4, vm0, $0xb8;
	[tilespmem:$0x1E400] =	vst v63  }
0xbc: {  	s21 =	simm.s32 $0x19C00  }
0xbd: {  	[tilespmem:s21], [sflag:$0x1] =	stream.indirect_vreg.gather [hbm4b:s1+s3], $0x80, v3, vm0, $0xb8;
	[tilespmem:$0x1E400] =	vst v63  }
0xbe: {  	s22 =	simm.s32 $0x1A400  }
0xbf: {  	[tilespmem:s22], [sflag:$0x1] =	stream.indirect_vreg.gather [hbm4b:s5+s3], $0x80, v3, vm0, $0xb8;
	[tilespmem:$0x1E400] =	vst v63  }
0xc0: {  	s23 =	simm.s32 $0x1AC00  }
0xc1: {  	[tilespmem:s23], [sflag:$0x1] =	stream.indirect_vreg.gather [hbm4b:s6+s3], $0x80, v3, vm0, $0xb8;
	[tilespmem:$0x1E400] =	vst v63  }
0xc2: {  	v3 =	vld [tilespmem:$0x90];
	_ =	sdelay $0x4  }
0xc3: {  	v4 =	vshrl.u32 v3, $0x3  }
0xc4: {  	v4 =	vmul.u32 $0x30, v4  }
0xc5: {  	v3 =	vand.u32 $0x7, v3  }
0xc6: {  	v3 =	vor.u32 v3, v4  }
0xc7: {  	v4 =	vperm.xlane v3, v0;
	_ =	sdelay $0x1  }
0xc8: {  	v4 =	vadd.s32 v1, v4;
	_ =	sdelay $0x1  }
0xc9: {  	s22 =	smul.u32 $0xCD, s3;
	_ =	sdelay $0x1  }
0xca: {  	s25 =	simm.s32 $0x1B400;
	s19 =	sshrl.u32 s22, $0xA;
	v3 =	vperm.xlane v3, v2  }
0xcb: {  	[tilespmem:s25], [sflag:$0x1] =	stream.indirect_vreg.gather [hbm4b:s1+s3], $0x80, v4, vm0, $0xb8;
	[tilespmem:$0x1E400] =	vst v63  }
0xcc: {  	s26 =	simm.s32 $0x1BC00;
	s19 =	sand.u32 $0x3F, s19;
	v3 =	vadd.s32 v1, v3  }
0xcd: {  	[tilespmem:s26], [sflag:$0x1] =	stream.indirect_vreg.gather [hbm4b:s5+s3], $0x80, v4, vm0, $0xb8;
	[tilespmem:$0x1E400] =	vst v63  }
0xce: {  	s28 =	simm.s32 $0x1C400;
	s19 =	smul.u32 $0x5, s19  }
0xcf: {  	[tilespmem:s28], [sflag:$0x1] =	stream.indirect_vreg.gather [hbm4b:s6+s3], $0x80, v4, vm0, $0xb8;
	[tilespmem:$0x1E400] =	vst v63  }
0xd0: {  	s21 =	simm.s32 $0x1CC00;
	s19 =	ssub.s32 $0x0, s19  }
0xd1: {  	[tilespmem:s21], [sflag:$0x1] =	stream.indirect_vreg.gather [hbm4b:s1+s3], $0x80, v3, vm0, $0xb8;
	[tilespmem:$0x1E400] =	vst v63  }
0xd2: {  	s19 =	sand.u32 $0xFF, s19  }
0xd3: {  	[tilespmem:s31], [sflag:$0x1] =	stream.indirect_vreg.gather [hbm4b:s5+s3], $0x80, v3, vm0, $0xb8;
	[tilespmem:$0x1E400] =	vst v63  }
0xd4: {  	s19 =	smul.u32 $0x18000, s19  }
0xd5: {  	[tilespmem:s0], [sflag:$0x1] =	stream.indirect_vreg.gather [hbm4b:s6+s3], $0x80, v3, vm0, $0xb8;
	[tilespmem:$0x1E400] =	vst v63  }
0xd6: {  	_ =	swait.ge [sflag:s2], $0x6000  }
0xd7: {  	s19 =	sshrl.u32 s19, $0x2;
	[sflag:s2] =	ssyncset.done $0x0  }
0xd8: {  	s23 =	sor.u32 $0x400, s19;
	[sflag:s2] =	ssyncadd.s32 $0xFFFFA000  }
0xd9: {  	[hbm4b:s13+s3] =	stream.linear.scatter [tilespmem:s23], [sflag:$0x2], $0x6000, $0x38;
	[tilespmem:$0x1E400] =	vst v63  }
0xda: {  	_ =	swait.ge [sflag:s14], $0x6000  }
0xdb: {  	[sflag:s14] =	ssyncset.done $0x0  }
0xdc: {  	s22 =	simm.s32 $0xB0;
	[sflag:s14] =	ssyncadd.s32 $0xFFFFA000  }
0xdd: {  	v3 =	vld [tilespmem:s22+$0xFFFFFFF0];
	_ =	sdelay $0x4  }
0xde: {  	v4 =	vshrl.u32 v3, $0x3  }
0xdf: {  	v4 =	vmul.u32 $0x30, v4  }
0xe0: {  	v3 =	vand.u32 $0x7, v3  }
0xe1: {  	v3 =	vor.u32 v3, v4  }
0xe2: {  	v4 =	vperm.xlane v3, v0;
	_ =	sdelay $0x1  }
0xe3: {  	v4 =	vadd.s32 v1, v4;
	_ =	sdelay $0x3  }
0xe4: {  	v3 =	vperm.xlane v3, v2  }
0xe5: {  	[tilespmem:s23], [sflag:$0x1] =	stream.indirect_vreg.gather [hbm4b:s1+s3], $0x80, v4, vm0, $0xb8;
	[tilespmem:$0x1E400] =	vst v63  }
0xe6: {  	s25 =	sor.u32 $0xC00, s19;
	v3 =	vadd.s32 v1, v3  }
0xe7: {  	[tilespmem:s25], [sflag:$0x1] =	stream.indirect_vreg.gather [hbm4b:s5+s3], $0x80, v4, vm0, $0xb8;
	[tilespmem:$0x1E400] =	vst v63  }
0xe8: {  	s26 =	sor.u32 $0x1400, s19  }
0xe9: {  	[tilespmem:s26], [sflag:$0x1] =	stream.indirect_vreg.gather [hbm4b:s6+s3], $0x80, v4, vm0, $0xb8;
	[tilespmem:$0x1E400] =	vst v63  }
0xea: {  	s28 =	sor.u32 $0x1C00, s19  }
0xeb: {  	[tilespmem:s28], [sflag:$0x1] =	stream.indirect_vreg.gather [hbm4b:s1+s3], $0x80, v3, vm0, $0xb8;
	[tilespmem:$0x1E400] =	vst v63  }
0xec: {  	s23 =	sadd.s32 $0x2400, s19  }
0xed: {  	[tilespmem:s23], [sflag:$0x1] =	stream.indirect_vreg.gather [hbm4b:s5+s3], $0x80, v3, vm0, $0xb8;
	[tilespmem:$0x1E400] =	vst v63  }
0xee: {  	s25 =	sadd.s32 $0x2C00, s19  }
0xef: {  	[tilespmem:s25], [sflag:$0x1] =	stream.indirect_vreg.gather [hbm4b:s6+s3], $0x80, v3, vm0, $0xb8;
	[tilespmem:$0x1E400] =	vst v63  }
0xf0: {  	v3 =	vld [tilespmem:s22+$0x0];
	_ =	sdelay $0x4  }
0xf1: {  	v4 =	vshrl.u32 v3, $0x3  }
0xf2: {  	v4 =	vmul.u32 $0x30, v4  }
0xf3: {  	v3 =	vand.u32 $0x7, v3  }
0xf4: {  	v4 =	vor.u32 v3, v4  }
0xf5: {  	v3 =	vperm.xlane v4, v0  }
0xf6: {  	s23 =	simm.s32 $0x1  }
0xf7: {  	s26 =	smul.u32 $0xCD, s23;
	v3 =	vadd.s32 v1, v3;
	_ =	sdelay $0x1  }
0xf8: {  	s29 =	sadd.s32 $0x3C00, s19;
	s21 =	sshrl.u32 s26, $0xA  }
0xf9: {  	s28 =	sadd.s32 $0x3400, s19;
	s25 =	simm.s32 $0x2;
	s21 =	sand.u32 $0x3F, s21;
	v4 =	vperm.xlane v4, v2  }
0xfa: {  	s22 =	sadd.s32 $0xC00, s13;
	s26 =	smul.u32 $0x5, s21;
	s21 =	simm.s32 $0xD0  }
0xfb: {  	v4 =	vadd.s32 v1, v4;
	[tilespmem:s28], [sflag:$0x1] =	stream.indirect_vreg.gather [hbm4b:s1+s3], $0x80, v3, vm0, $0xb8;
	[tilespmem:$0x1E400] =	vst v63  }
.LBB2_2:
0xfc: {  	[tilespmem:s29], [sflag:$0x1] =	stream.indirect_vreg.gather [hbm4b:s5+s3], $0x80, v3, vm0, $0xb8;
	[tilespmem:$0x1E400] =	vst v63  }
0xfd: {  	s29 =	smov.u32 s25  }
0xfe: {  	s28 =	sadd.s32 $0x1, s25;
	s26 =	ssub.s32 s23, s26;
	s23 =	sadd.s32 $0x4400, s19  }
0xff: {  	[tilespmem:s23], [sflag:$0x1] =	stream.indirect_vreg.gather [hbm4b:s6+s3], $0x80, v3, vm0, $0xb8;
	[tilespmem:$0x1E400] =	vst v63  }
0x100: {  	p0 =	sne.s32 s25, $0x1A;
	s25 =	sadd.s32 $0x4C00, s19;
	s23 =	smov.u32 s29  }
0x101: {  	[tilespmem:s25], [sflag:$0x1] =	stream.indirect_vreg.gather [hbm4b:s1+s3], $0x80, v4, vm0, $0xb8;
	[tilespmem:$0x1E400] =	vst v63  }
0x102: {  	s25 =	sand.u32 $0xFF, s26;
	s26 =	sadd.s32 $0x5400, s19  }
0x103: {  	s29 =	sadd.s32 $0x5C00, s19;
	s25 =	smul.u32 $0x18000, s25  }
0x104: {  	[tilespmem:s26], [sflag:$0x1] =	stream.indirect_vreg.gather [hbm4b:s5+s3], $0x80, v4, vm0, $0xb8;
	[tilespmem:$0x1E400] =	vst v63  }
0x105: {  	s19 =	sshrl.u32 s25, $0x2  }
0x106: {  	[tilespmem:s29], [sflag:$0x1] =	stream.indirect_vreg.gather [hbm4b:s6+s3], $0x80, v4, vm0, $0xb8;
	[tilespmem:$0x1E400] =	vst v63  }
0x107: {  	_ =	swait.ge [sflag:s2], $0x6000  }
0x108: {  	[sflag:s2] =	ssyncset.done $0x0  }
0x109: {  	s25 =	sor.u32 $0x400, s19;
	[sflag:s2] =	ssyncadd.s32 $0xFFFFA000  }
0x10a: {  	[hbm4b:s22+s3] =	stream.linear.scatter [tilespmem:s25], [sflag:$0x2], $0x6000, $0x38;
	[tilespmem:$0x1E400] =	vst v63  }
0x10b: {  	_ =	swait.ge [sflag:s14], $0x6000  }
0x10c: {  	[sflag:s14] =	ssyncset.done $0x0  }
0x10d: {  	[sflag:s14] =	ssyncadd.s32 $0xFFFFA000  }
0x10e: {  	v3 =	vld [tilespmem:s21+$0xFFFFFFF0];
	_ =	sdelay $0x4  }
0x10f: {  	v4 =	vshrl.u32 v3, $0x3  }
0x110: {  	v4 =	vmul.u32 $0x30, v4  }
0x111: {  	v3 =	vand.u32 $0x7, v3  }
0x112: {  	v3 =	vor.u32 v3, v4  }
0x113: {  	v4 =	vperm.xlane v3, v0;
	v3 =	vperm.xlane v3, v2;
	_ =	sdelay $0x1  }
0x114: {  	v4 =	vadd.s32 v1, v4;
	_ =	sdelay $0x4  }
0x115: {  	[tilespmem:s25], [sflag:$0x1] =	stream.indirect_vreg.gather [hbm4b:s1+s3], $0x80, v4, vm0, $0xb8;
	[tilespmem:$0x1E400] =	vst v63  }
0x116: {  	v3 =	vadd.s32 v1, v3;
	s25 =	sor.u32 $0xC00, s19  }
0x117: {  	[tilespmem:s25], [sflag:$0x1] =	stream.indirect_vreg.gather [hbm4b:s5+s3], $0x80, v4, vm0, $0xb8;
	[tilespmem:$0x1E400] =	vst v63  }
0x118: {  	s25 =	sor.u32 $0x1400, s19  }
0x119: {  	[tilespmem:s25], [sflag:$0x1] =	stream.indirect_vreg.gather [hbm4b:s6+s3], $0x80, v4, vm0, $0xb8;
	[tilespmem:$0x1E400] =	vst v63  }
0x11a: {  	s25 =	sor.u32 $0x1C00, s19  }
0x11b: {  	[tilespmem:s25], [sflag:$0x1] =	stream.indirect_vreg.gather [hbm4b:s1+s3], $0x80, v3, vm0, $0xb8;
	[tilespmem:$0x1E400] =	vst v63  }
0x11c: {  	s25 =	sadd.s32 $0x2400, s19  }
0x11d: {  	[tilespmem:s25], [sflag:$0x1] =	stream.indirect_vreg.gather [hbm4b:s5+s3], $0x80, v3, vm0, $0xb8;
	[tilespmem:$0x1E400] =	vst v63  }
0x11e: {  	s25 =	sadd.s32 $0x2C00, s19  }
0x11f: {  	[tilespmem:s25], [sflag:$0x1] =	stream.indirect_vreg.gather [hbm4b:s6+s3], $0x80, v3, vm0, $0xb8;
	[tilespmem:$0x1E400] =	vst v63  }
0x120: {  	v3 =	vld [tilespmem:s21+$0x0];
	_ =	sdelay $0x4  }
0x121: {  	v4 =	vshrl.u32 v3, $0x3  }
0x122: {  	v4 =	vmul.u32 $0x30, v4  }
0x123: {  	v3 =	vand.u32 $0x7, v3  }
0x124: {  	v3 =	vor.u32 v3, v4  }
0x125: {  	v4 =	vperm.xlane v3, v0;
	v5 =	vperm.xlane v3, v2;
	_ =	sdelay $0x1  }
0x126: {  	v3 =	vadd.s32 v1, v4  }
0x127: {  	s25 =	smul.u32 $0xCD, s23  }
.Ltmp0:
0x128: {  	(pc) =	sbr.rel @p0 .LBB2_2-.Ltmp0, $4  }
0x129: {  	s26 =	sadd.s32 $0x3400, s19;
	s25 =	sshrl.u32 s25, $0xA  }
0x12a: {  	s29 =	sadd.s32 $0x3C00, s19;
	s22 =	sadd.s32 $0xC00, s22;
	s25 =	sand.u32 $0x3F, s25  }
0x12b: {  	[tilespmem:s26], [sflag:$0x1] =	stream.indirect_vreg.gather [hbm4b:s1+s3], $0x80, v3, vm0, $0xb8;
	[tilespmem:$0x1E400] =	vst v63  }
0x12c: {  	s21 =	sadd.s32 $0x20, s21;
	v4 =	vadd.s32 v1, v5;
	s26 =	smul.u32 $0x5, s25;
	s25 =	smov.u32 s28  }
0x12d: {  	_ =	sdelay $0x3  }
0x12e: {  	[tilespmem:s29], [sflag:$0x1] =	stream.indirect_vreg.gather [hbm4b:s5+s3], $0x80, v3, vm0, $0xb8;
	[tilespmem:$0x1E400] =	vst v63  }
0x12f: {  	s25 =	sadd.s32 $0x4400, s19  }
0x130: {  	[tilespmem:s25], [sflag:$0x1] =	stream.indirect_vreg.gather [hbm4b:s6+s3], $0x80, v3, vm0, $0xb8;
	[tilespmem:$0x1E400] =	vst v63  }
0x131: {  	s23 =	ssub.s32 s23, s26;
	s26 =	sadd.s32 $0x4C00, s19  }
0x132: {  	[tilespmem:s26], [sflag:$0x1] =	stream.indirect_vreg.gather [hbm4b:s1+s3], $0x80, v4, vm0, $0xb8;
	[tilespmem:$0x1E400] =	vst v63  }
0x133: {  	s28 =	sadd.s32 $0x5400, s19;
	s23 =	sand.u32 $0xFF, s23  }
0x134: {  	[tilespmem:s28], [sflag:$0x1] =	stream.indirect_vreg.gather [hbm4b:s5+s3], $0x80, v4, vm0, $0xb8;
	[tilespmem:$0x1E400] =	vst v63  }
0x135: {  	s29 =	sadd.s32 $0x5C00, s19;
	s23 =	smul.u32 $0x18000, s23  }
0x136: {  	[tilespmem:s29], [sflag:$0x1] =	stream.indirect_vreg.gather [hbm4b:s6+s3], $0x80, v4, vm0, $0xb8;
	[tilespmem:$0x1E400] =	vst v63  }
0x137: {  	_ =	swait.ge [sflag:s2], $0x6000  }
0x138: {  	s19 =	sshrl.u32 s23, $0x2;
	[sflag:s2] =	ssyncset.done $0x0  }
0x139: {  	s23 =	sor.u32 $0x400, s19;
	[sflag:s2] =	ssyncadd.s32 $0xFFFFA000  }
0x13a: {  	[hbm4b:s22+s3] =	stream.linear.scatter [tilespmem:s23], [sflag:$0x2], $0x6000, $0x38;
	[tilespmem:$0x1E400] =	vst v63  }
0x13b: {  	_ =	swait.ge [sflag:s14], $0x6000  }
0x13c: {  	[sflag:s14] =	ssyncset.done $0x0  }
0x13d: {  	[sflag:s14] =	ssyncadd.s32 $0xFFFFA000  }
0x13e: {  	v3 =	vld [tilespmem:s21+$0xFFFFFFF0];
	_ =	sdelay $0x4  }
0x13f: {  	v62 =	vshrl.u32 v3, $0x3  }
0x140: {  	v4 =	vmul.u32 $0x30, v62  }
0x141: {  	v3 =	vand.u32 $0x7, v3  }
0x142: {  	v3 =	vor.u32 v3, v4  }
0x143: {  	v4 =	vperm.xlane v3, v0;
	_ =	sdelay $0x1  }
0x144: {  	v4 =	vadd.s32 v1, v4;
	_ =	sdelay $0x3  }
0x145: {  	v3 =	vperm.xlane v3, v2  }
0x146: {  	[tilespmem:s23], [sflag:$0x1] =	stream.indirect_vreg.gather [hbm4b:s1+s3], $0x80, v4, vm0, $0xb8;
	[tilespmem:$0x1E400] =	vst v63  }
0x147: {  	v3 =	vadd.s32 v1, v3;
	s23 =	sor.u32 $0xC00, s19  }
0x148: {  	[tilespmem:s23], [sflag:$0x1] =	stream.indirect_vreg.gather [hbm4b:s5+s3], $0x80, v4, vm0, $0xb8;
	[tilespmem:$0x1E400] =	vst v63  }
0x149: {  	s25 =	sor.u32 $0x1400, s19  }
0x14a: {  	[tilespmem:s25], [sflag:$0x1] =	stream.indirect_vreg.gather [hbm4b:s6+s3], $0x80, v4, vm0, $0xb8;
	[tilespmem:$0x1E400] =	vst v63  }
0x14b: {  	s26 =	sor.u32 $0x1C00, s19  }
0x14c: {  	[tilespmem:s26], [sflag:$0x1] =	stream.indirect_vreg.gather [hbm4b:s1+s3], $0x80, v3, vm0, $0xb8;
	[tilespmem:$0x1E400] =	vst v63  }
0x14d: {  	s28 =	sadd.s32 $0x2400, s19  }
0x14e: {  	[tilespmem:s28], [sflag:$0x1] =	stream.indirect_vreg.gather [hbm4b:s5+s3], $0x80, v3, vm0, $0xb8;
	[tilespmem:$0x1E400] =	vst v63  }
0x14f: {  	s29 =	sadd.s32 $0x2C00, s19  }
0x150: {  	[tilespmem:s29], [sflag:$0x1] =	stream.indirect_vreg.gather [hbm4b:s6+s3], $0x80, v3, vm0, $0xb8;
	[tilespmem:$0x1E400] =	vst v63  }
0x151: {  	v3 =	vld [tilespmem:s21+$0x0];
	_ =	sdelay $0x4  }
0x152: {  	v63 =	vshrl.u32 v3, $0x3  }
0x153: {  	v4 =	vmul.u32 $0x30, v63  }
0x154: {  	v3 =	vand.u32 $0x7, v3  }
0x155: {  	v3 =	vor.u32 v3, v4  }
0x156: {  	v4 =	vperm.xlane v3, v0;
	_ =	sdelay $0x1  }
0x157: {  	v4 =	vadd.s32 v1, v4;
	_ =	sdelay $0x3  }
0x158: {  	s23 =	sadd.s32 $0x3400, s19;
	v3 =	vperm.xlane v3, v2  }
0x159: {  	[tilespmem:s23], [sflag:$0x1] =	stream.indirect_vreg.gather [hbm4b:s1+s3], $0x80, v4, vm0, $0xb8;
	[tilespmem:$0x1E400] =	vst v63  }
0x15a: {  	s25 =	sadd.s32 $0x3C00, s19;
	v3 =	vadd.s32 v1, v3  }
0x15b: {  	[tilespmem:s25], [sflag:$0x1] =	stream.indirect_vreg.gather [hbm4b:s5+s3], $0x80, v4, vm0, $0xb8;
	[tilespmem:$0x1E400] =	vst v63  }
0x15c: {  	s26 =	sadd.s32 $0x4400, s19  }
0x15d: {  	[tilespmem:s26], [sflag:$0x1] =	stream.indirect_vreg.gather [hbm4b:s6+s3], $0x80, v4, vm0, $0xb8;
	[tilespmem:$0x1E400] =	vst v63  }
0x15e: {  	s28 =	sadd.s32 $0x4C00, s19  }
0x15f: {  	[tilespmem:s28], [sflag:$0x1] =	stream.indirect_vreg.gather [hbm4b:s1+s3], $0x80, v3, vm0, $0xb8;
	[tilespmem:$0x1E400] =	vst v63  }
0x160: {  	s29 =	sadd.s32 $0x5400, s19  }
0x161: {  	[tilespmem:s29], [sflag:$0x1] =	stream.indirect_vreg.gather [hbm4b:s5+s3], $0x80, v3, vm0, $0xb8;
	[tilespmem:$0x1E400] =	vst v63  }
0x162: {  	s19 =	sadd.s32 $0x5C00, s19  }
0x163: {  	[tilespmem:s19], [sflag:$0x1] =	stream.indirect_vreg.gather [hbm4b:s6+s3], $0x80, v3, vm0, $0xb8;
	[tilespmem:$0x1E400] =	vst v63  }
0x164: {  	_ =	swait.ge [sflag:s2], $0x6000  }
0x165: {  	[sflag:s2] =	ssyncset.done $0x0  }
0x166: {  	[sflag:s2] =	ssyncadd.s32 $0xFFFFA000  }
0x167: {  	[hbm4b:s8+s3] =	stream.linear.scatter [tilespmem:s24], [sflag:$0x2], $0x6000, $0x38;
	[tilespmem:$0x1E400] =	vst v63  }
0x168: {  	_ =	swait.ge [sflag:s2], $0x6000  }
0x169: {  	[sflag:s2] =	ssyncset.done $0x0  }
0x16a: {  	[sflag:s2] =	ssyncadd.s32 $0xFFFFA000  }
0x16b: {  	[hbm4b:s9+s3] =	stream.linear.scatter [tilespmem:s20], [sflag:$0x2], $0x6000, $0x38;
	[tilespmem:$0x1E400] =	vst v63  }
0x16c: {  	_ =	swait.ge [sflag:s2], $0x6000  }
0x16d: {  	[sflag:s2] =	ssyncset.done $0x0  }
0x16e: {  	[sflag:s2] =	ssyncadd.s32 $0xFFFFA000  }
0x16f: {  	[hbm4b:s10+s3] =	stream.linear.scatter [tilespmem:s15], [sflag:$0x2], $0x6000, $0x38;
	[tilespmem:$0x1E400] =	vst v63  }
0x170: {  	_ =	swait.ge [sflag:s2], $0x6000  }
0x171: {  	[sflag:s2] =	ssyncset.done $0x0  }
0x172: {  	[sflag:s2] =	ssyncadd.s32 $0xFFFFA000  }
0x173: {  	[hbm4b:s11+s3] =	stream.linear.scatter [tilespmem:s17], [sflag:$0x2], $0x6000, $0x38;
	[tilespmem:$0x1E400] =	vst v63  }
0x174: {  	_ =	swait.ge [sflag:s2], $0x6000  }
0x175: {  	[sflag:s2] =	ssyncset.done $0x0  }
0x176: {  	[sflag:s2] =	ssyncadd.s32 $0xFFFFA000  }
0x177: {  	[hbm4b:s12+s3] =	stream.linear.scatter [tilespmem:s30], [sflag:$0x2], $0x6000, $0x38;
	[tilespmem:$0x1E400] =	vst v63  }
0x178: {  	_ =	swait.ge [sflag:s14], $0x6000  }
0x179: {  	[sflag:s14] =	ssyncset.done $0x0  }
0x17a: {  	[sflag:s14] =	ssyncadd.s32 $0xFFFFA000  }
0x17b: {  	_ =	swait.ge [sflag:s14], $0x6000  }
0x17c: {  	[sflag:s14] =	ssyncset.done $0x0  }
0x17d: {  	[sflag:s14] =	ssyncadd.s32 $0xFFFFA000  }
0x17e: {  	_ =	swait.ge [sflag:s14], $0x6000  }
0x17f: {  	[sflag:s14] =	ssyncset.done $0x0  }
0x180: {  	s18 =	sadd.s32 $0x1, s18;
	[sflag:s14] =	ssyncadd.s32 $0xFFFFA000  }
0x181: {  	p0 =	sne.s32 s18, s7;
	_ =	swait.ge [sflag:s14], $0x6000  }
.Ltmp1:
0x182: {  	[sflag:s14] =	ssyncset.done $0x0;
	(pc) =	sbr.rel @p0 .LBB2_1-.Ltmp1, $4  }
0x183: {  	[sflag:s14] =	ssyncadd.s32 $0xFFFFA000  }
0x184: {  	_ =	swait.ge [sflag:s14], $0x6000  }
0x185: {  	[sflag:s14] =	ssyncset.done $0x0  }
0x186: {  	[sflag:s14] =	ssyncadd.s32 $0xFFFFA000  }
0x187: {  	_ =	sfence.sel $0x180000  }
0x188: {  	[bflag:$0x0] =	sbarrier.arrive $0xFFFF  }
0x189: {  	_ =	strace $0x90000047  }
0x18a: {  	s0 =	stileid.u32;
	[bflag:$0x2] =	sbarrier.arrive $0xFFFF  }
0x18b: {  	p0 =	sne.s32 s0, $0x0;
	s0 =	rddreg [dreg:$0x3]  }
0x18c: {  	s0 =	sadd.s32 @!p0 $0x100000, s0  }
0x18d: {  	[sflag:s0] =	ssyncadd.tile.s32 @!p0 $0x1;
	_ =	shalt  }
.Lfunc_end2:
_tile_overlayer_lowered:
.L_overlay_start_2:
0x18e: {  	(tag) =	ssettag $0x2  }
0x18f: {  	s0 =	rddreg [dreg:$0x0];
	s2 =	stileid.u32  }
0x190: {  	s1 =	rddreg [dreg:$0x1];
	p0 =	sne.s32 s2, $0x0  }
0x191: {  	s3 =	rddreg [dreg:$0x2];
	[bflag:$0x3] =	sbarrier.arrive $0xFFFF;
	s2 =	simm.s32 @!p0 $0x1C03  }
0x192: {  	[timem:s3], [sflag:s2] =	dma.local @!p0 [hbm:s0], s1  }
0x193: {  	s0 =	simm.s32 @!p0 $0x3  }
0x194: {  	_ =	swait.ge @!p0 [sflag:s0], s1  }
0x195: {  	s1 =	ssub.s32 @!p0 $0x0, s1;
	[sflag:s0] =	ssyncset.done @!p0 $0x0  }
0x196: {  	[sflag:s0] =	ssyncadd.s32 @!p0 s1  }
0x197: {  	[bflag:$0x3] =	sbarrier.arrive $0xFFFF  }
0x198: {  	_ =	shalt  }

</sc_bundles>
